<compile_context>
chip_gen: v7x
topology: tpu7x:2x2x1
jax: 0.10.2.dev20260603
libtpu: 0.0.44.dev20260713+nightly
codegen_flags: <defaults>
</compile_context>

<pallas_src>
import functools

import jax
import jax.numpy as jnp
from jax import lax
from jax.experimental import pallas as pl
from jax.experimental.pallas import tpu as pltpu
from jax.experimental.pallas import tpu_sc as plsc

N_NODES = 10000
N_EDGES = 320000
D = 128

NPAD = 10240
EB = 80
TILES = 32
E_PER_TILE = N_EDGES // TILES
BATCHES = E_PER_TILE // EB
AROWS_PER_TILE = NPAD // 16
ZCHUNK = 128

_mesh = plsc.VectorSubcoreMesh(core_axis_name="c", subcore_axis_name="s")


@functools.partial(
    pl.kernel,
    mesh=_mesh,
    out_type=jax.ShapeDtypeStruct((2, NPAD), jnp.float32),
    scratch_types=[
        pltpu.VMEM_SHARED((NPAD,), jnp.float32),
        pltpu.VMEM((EB,), jnp.int32),
        pltpu.VMEM((EB,), jnp.float32),
        pltpu.VMEM((640,), jnp.float32),
    ],
)
def _deg_sc(dst_hbm, out_hbm, hist, didx, ones, zeros):
    c = lax.axis_index("c")
    s = lax.axis_index("s")

    def fill_ones(i, carry):
        ones[pl.ds(i * 16, 16)] = jnp.full((16,), 1.0, jnp.float32)
        return carry

    lax.fori_loop(0, EB // 16, fill_ones, 0)

    def fill_zeros(i, carry):
        zeros[pl.ds(i * 16, 16)] = jnp.zeros((16,), jnp.float32)
        return carry

    lax.fori_loop(0, 640 // 16, fill_zeros, 0)

    pltpu.sync_copy(zeros, hist.at[pl.ds(s * 640, 640)])
    plsc.subcore_barrier()

    ebase = c * (N_EDGES // 2) + s * E_PER_TILE

    def body(b, carry):
        pltpu.sync_copy(dst_hbm.at[pl.ds(ebase + b * EB, EB)], didx)
        pltpu.sync_copy(ones, hist.at[didx], add=True)
        return carry

    lax.fori_loop(0, BATCHES, body, 0)
    plsc.subcore_barrier()
    pltpu.sync_copy(hist.at[pl.ds(s * 640, 640)],
                    out_hbm.at[c, pl.ds(s * 640, 640)])


@functools.partial(
    pl.kernel,
    mesh=_mesh,
    out_type=jax.ShapeDtypeStruct((2, NPAD, D), jnp.float32),
    scratch_types=[
        pltpu.VMEM_SHARED((NPAD, D), jnp.float32),
        pltpu.VMEM((EB,), jnp.int32),
        pltpu.VMEM((EB,), jnp.int32),
        pltpu.VMEM((EB, D), jnp.float32),
        pltpu.VMEM((ZCHUNK, D), jnp.float32),
        pltpu.SemaphoreType.DMA,
    ],
)
def _agg_sc(xw_hbm, src_hbm, dst_hbm, out_hbm, acc, sidx, didx, rows, zrows, sem):
    c = lax.axis_index("c")
    s = lax.axis_index("s")

    def fill_zrows(i, carry):
        for j in range(D // 16):
            zrows[i, pl.ds(j * 16, 16)] = jnp.zeros((16,), jnp.float32)
        return carry

    lax.fori_loop(0, ZCHUNK, fill_zrows, 0)

    for k in range(AROWS_PER_TILE // ZCHUNK):
        pltpu.sync_copy(zrows, acc.at[pl.ds(s * AROWS_PER_TILE + k * ZCHUNK, ZCHUNK)])
    plsc.subcore_barrier()

    ebase = c * (N_EDGES // 2) + s * E_PER_TILE

    def body(b, carry):
        pltpu.sync_copy(src_hbm.at[pl.ds(ebase + b * EB, EB)], sidx)
        pltpu.sync_copy(dst_hbm.at[pl.ds(ebase + b * EB, EB)], didx)
        pltpu.async_copy(xw_hbm.at[sidx], rows, sem).wait()
        pltpu.sync_copy(rows, acc.at[didx], add=True)
        return carry

    lax.fori_loop(0, BATCHES, body, 0)
    plsc.subcore_barrier()

    for k in range(AROWS_PER_TILE // ZCHUNK):
        r0 = s * AROWS_PER_TILE + k * ZCHUNK
        pltpu.sync_copy(acc.at[pl.ds(r0, ZCHUNK)], out_hbm.at[c, pl.ds(r0, ZCHUNK)])


def _mm1_body(x_ref, w_ref, h0_ref, h1_ref, xwp_ref, dinv_ref):
    deg = h0_ref[...] + h1_ref[...] + 1.0
    dinv = lax.rsqrt(deg)
    xw = jnp.dot(x_ref[...], w_ref[...], preferred_element_type=jnp.float32)
    xwp_ref[...] = xw * dinv
    dinv_ref[...] = dinv


def _mm2_body(xwp_ref, a0_ref, a1_ref, dinv_ref, b_ref, w_ref, out_ref):
    dinv = dinv_ref[...]
    h = (xwp_ref[...] + a0_ref[...] + a1_ref[...]) * dinv + b_ref[...]
    h = jnp.maximum(h, 0.0)
    out_ref[...] = jnp.dot(h, w_ref[...], preferred_element_type=jnp.float32) * dinv


def _fin_body(xwp_ref, a0_ref, a1_ref, dinv_ref, b_ref, out_ref):
    out_ref[...] = ((xwp_ref[...] + a0_ref[...] + a1_ref[...]) * dinv_ref[...]
                    + b_ref[...])


def _mm1(x, w, h0, h1):
    return pl.pallas_call(
        _mm1_body,
        out_shape=(
            jax.ShapeDtypeStruct((N_NODES, D), jnp.float32),
            jax.ShapeDtypeStruct((N_NODES, 1), jnp.float32),
        ),
    )(x, w, h0, h1)


def _mm2(xwp, a0, a1, dinv, b, w):
    return pl.pallas_call(
        _mm2_body,
        out_shape=jax.ShapeDtypeStruct((N_NODES, D), jnp.float32),
    )(xwp, a0, a1, dinv, b, w)


def _fin(xwp, a0, a1, dinv, b):
    return pl.pallas_call(
        _fin_body,
        out_shape=jax.ShapeDtypeStruct((N_NODES, D), jnp.float32),
    )(xwp, a0, a1, dinv, b)


def kernel(x, edge_index, W1, b1, W2, b2):
    ei = edge_index.astype(jnp.int32)
    src = ei[0]
    dst = ei[1]

    hist = _deg_sc(dst)
    h0 = hist[0, :N_NODES].reshape(N_NODES, 1)
    h1 = hist[1, :N_NODES].reshape(N_NODES, 1)

    xw1p, dinv = _mm1(x, W1, h0, h1)
    a = _agg_sc(xw1p, src, dst)
    xw2p = _mm2(xw1p, a[0, :N_NODES], a[1, :N_NODES], dinv,
                b1.reshape(1, D), W2)
    a2 = _agg_sc(xw2p, src, dst)
    return _fin(xw2p, a2[0, :N_NODES], a2[1, :N_NODES], dinv,
                b2.reshape(1, D))

# --- scband reference (transcript-rebuilt; emitter-appended) ---
"""Pipeline reference for scband-gnn-13176959664143 (READ-ONLY COPY).

The authoritative reference and input builder live on the scoring server;
editing this copy changes nothing except your own understanding.
"""

import jax, jax.numpy as jnp
import numpy as np

N_NODES = 10000
N_EDGES = 320000
D_IN = 128
D_HID = 128
D_OUT = 128


def setup_inputs(seed: int = 0) -> dict:
    key = jax.random.key(seed)
    k1, k2, k3, k4, k5, k6 = jax.random.split(key, 6)
    x = jax.random.normal(k1, (N_NODES, D_IN), dtype=jnp.float32)
    edge_index = jax.random.randint(k2, (2, N_EDGES), 0, N_NODES, dtype=jnp.int64)
    # GCNConv parameters (glorot-style scaled normals)
    W1 = jax.random.normal(k3, (D_IN, D_HID), dtype=jnp.float32) * (1.0 / np.sqrt(D_IN))
    b1 = jnp.zeros((D_HID,), dtype=jnp.float32)
    W2 = jax.random.normal(k4, (D_HID, D_OUT), dtype=jnp.float32) * (1.0 / np.sqrt(D_HID))
    b2 = jnp.zeros((D_OUT,), dtype=jnp.float32)
    return {"x": x, "edge_index": edge_index, "W1": W1, "b1": b1, "W2": W2, "b2": b2}


def gcn_conv(x, edge_index, W, b):
    num_nodes = x.shape[0]
    xw = x @ W
    src = edge_index[0]
    dst = edge_index[1]
    # add self loops (GCNConv default: add_self_loops=True, normalize=True)
    loop = jnp.arange(num_nodes, dtype=edge_index.dtype)
    src = jnp.concatenate([src, loop])
    dst = jnp.concatenate([dst, loop])
    # symmetric normalization D^{-1/2} (A+I) D^{-1/2}
    deg = jnp.zeros((num_nodes,), dtype=xw.dtype).at[dst].add(1.0)
    dinv = jnp.where(deg > 0, jax.lax.rsqrt(deg), 0.0)
    norm = dinv[src] * dinv[dst]
    msg = xw[src] * norm[:, None]
    out = jnp.zeros((num_nodes, xw.shape[1]), dtype=xw.dtype).at[dst].add(msg)
    return out + b


def reference(x, edge_index, W1, b1, W2, b2):
    h = gcn_conv(x, edge_index, W1, b1)
    h = jax.nn.relu(h)
    out = gcn_conv(h, edge_index, W2, b2)
    return out

if __name__ == "__main__":
    import jax
    _d = setup_inputs()
    print(jax.jit(kernel)(*tuple(_d.values())))

</pallas_src>

<mosaic_0001>
#map = affine_map<(d0, d1) -> (0)>
#map1 = affine_map<(d0, d1) -> (0, 0)>
module attributes {stable_mosaic.version = 14 : i64} {
  func.func @_deg_sc(%arg0: i32, %arg1: i32, %arg2: memref<320000xi32, #tpu.memory_space<hbm>>, %arg3: memref<2x10240xf32, #tpu.memory_space<hbm>>, %arg4: memref<10240xf32, #tpu.memory_space<vmem_shared>>, %arg5: memref<80xi32, #tpu.memory_space<vmem>>, %arg6: memref<80xf32, #tpu.memory_space<vmem>>, %arg7: memref<640xf32, #tpu.memory_space<vmem>>) attributes {dimension_semantics = [#tpu.dimension_semantics<core_parallel>, #tpu.dimension_semantics<subcore_parallel>], iteration_bounds = array<i64: 2, 16>, scalar_prefetch = 0 : i64, scratch_operands = 4 : i64, tpu.core_type = #tpu.core_type<sc_vector_subcore>, window_params = [{transform_indices = #map}, {transform_indices = #map1}]} {
    %scan3A = arith.constant 0 : i32
    %scan3A_0 = arith.constant 0 : i32
    %scan3A_1 = arith.constant 5 : i32
    %scan3A_2 = arith.addi %scan3A_0, %scan3A_1 : i32
    %scan3A_3 = arith.constant 1 : i32
    scf.for %scan3A_27 = %scan3A_0 to %scan3A_2 step %scan3A_3  : i32 {
      %broadcast_in_dim3A = arith.constant 1.000000e+00 : f32
      %broadcast_in_dim3A_28 = vector.broadcast %broadcast_in_dim3A : f32 to vector<16xf32>
      %mul3A_29 = arith.constant 16 : i32
      %mul3A_30 = arith.muli %scan3A_27, %mul3A_29 : i32
      %swap3A = arith.index_cast %mul3A_30 : i32 to index
      %swap3A_31 = tpu.vector_load %arg6[%swap3A] {strides = array<i32>} : memref<80xf32, #tpu.memory_space<vmem>>, vector<16xf32>,
      %swap3A_32 = vector.shape_cast %swap3A_31 : vector<16xf32> to vector<16xf32>
      %swap3A_33 = vector.shape_cast %broadcast_in_dim3A_28 : vector<16xf32> to vector<16xf32>
      tpu.vector_store %arg6[%swap3A], %swap3A_33 {strides = array<i32>} : memref<80xf32, #tpu.memory_space<vmem>>, vector<16xf32>,
    }
    %scan3A_4 = arith.constant 5 : i32
    %scan3A_5 = arith.constant 0 : i32
    %scan3A_6 = arith.constant 0 : i32
    %scan3A_7 = arith.constant 40 : i32
    %scan3A_8 = arith.addi %scan3A_6, %scan3A_7 : i32
    %scan3A_9 = arith.constant 1 : i32
    scf.for %scan3A_27 = %scan3A_6 to %scan3A_8 step %scan3A_9  : i32 {
      %broadcast_in_dim3A = arith.constant 0.000000e+00 : f32
      %broadcast_in_dim3A_28 = vector.broadcast %broadcast_in_dim3A : f32 to vector<16xf32>
      %mul3A_29 = arith.constant 16 : i32
      %mul3A_30 = arith.muli %scan3A_27, %mul3A_29 : i32
      %swap3A = arith.index_cast %mul3A_30 : i32 to index
      %swap3A_31 = tpu.vector_load %arg7[%swap3A] {strides = array<i32>} : memref<640xf32, #tpu.memory_space<vmem>>, vector<16xf32>,
      %swap3A_32 = vector.shape_cast %swap3A_31 : vector<16xf32> to vector<16xf32>
      %swap3A_33 = vector.shape_cast %broadcast_in_dim3A_28 : vector<16xf32> to vector<16xf32>
      tpu.vector_store %arg7[%swap3A], %swap3A_33 {strides = array<i32>} : memref<640xf32, #tpu.memory_space<vmem>>, vector<16xf32>,
    }
    %scan3A_10 = arith.constant 40 : i32
    %mul3A = arith.constant 640 : i32
    %mul3A_11 = arith.muli %arg1, %mul3A : i32
    "tpu.region"() ({
      %run_scoped3A = tpu.sem_alloc : memref<!tpu.dma_semaphore, #tpu.memory_space<semaphore_mem>>
      %dma_start3A = tpu.memref_slice %arg4[%mul3A_11] : memref<10240xf32, #tpu.memory_space<vmem_shared>> -> memref<640xf32, #tpu.memory_space<vmem_shared>>
      %dma_start3A_27 = tpu.memref_slice %arg4[%mul3A_11] : memref<10240xf32, #tpu.memory_space<vmem_shared>> -> memref<640xf32, #tpu.memory_space<vmem_shared>>
      tpu.enqueue_dma source(%arg7 : memref<640xf32, #tpu.memory_space<vmem>>) target(%dma_start3A_27 : memref<640xf32, #tpu.memory_space<vmem_shared>>) target_semaphore(%run_scoped3A : memref<!tpu.dma_semaphore, #tpu.memory_space<semaphore_mem>>)
      %dma_wait3A = tpu.memref_slice %arg4[%mul3A_11] : memref<10240xf32, #tpu.memory_space<vmem_shared>> -> memref<640xf32, #tpu.memory_space<vmem_shared>>
      %dma_wait3A_28 = tpu.memref_slice %arg4[%mul3A_11] : memref<10240xf32, #tpu.memory_space<vmem_shared>> -> memref<640xf32, #tpu.memory_space<vmem_shared>>
      tpu.wait_dma2 semaphore(%run_scoped3A : memref<!tpu.dma_semaphore, #tpu.memory_space<semaphore_mem>>) src(%arg7 : memref<640xf32, #tpu.memory_space<vmem>>) dst(%dma_wait3A_28 : memref<640xf32, #tpu.memory_space<vmem_shared>>)
      tpu.yield
    }) : () -> ()
    %barrier3A = arith.constant 0 : index
    tpu.barrier barrier_id(%barrier3A)
    %mul3A_12 = arith.constant 160000 : i32
    %mul3A_13 = arith.muli %arg0, %mul3A_12 : i32
    %mul3A_14 = arith.constant 10000 : i32
    %mul3A_15 = arith.muli %arg1, %mul3A_14 : i32
    %add3A = arith.addi %mul3A_13, %mul3A_15 : i32
    %scan3A_16 = arith.constant 0 : i32
    %scan3A_17 = arith.constant 0 : i32
    %scan3A_18 = arith.constant 125 : i32
    %scan3A_19 = arith.addi %scan3A_17, %scan3A_18 : i32
    %scan3A_20 = arith.constant 1 : i32
    scf.for %scan3A_27 = %scan3A_17 to %scan3A_19 step %scan3A_20  : i32 {
      %mul3A_28 = arith.constant 80 : i32
      %mul3A_29 = arith.muli %scan3A_27, %mul3A_28 : i32
      %add3A_30 = arith.addi %add3A, %mul3A_29 : i32
      "tpu.region"() ({
        %run_scoped3A = tpu.sem_alloc : memref<!tpu.dma_semaphore, #tpu.memory_space<semaphore_mem>>
        %dma_start3A = tpu.memref_slice %arg2[%add3A_30] : memref<320000xi32, #tpu.memory_space<hbm>> -> memref<80xi32, #tpu.memory_space<hbm>>
        %dma_start3A_31 = tpu.memref_slice %arg2[%add3A_30] : memref<320000xi32, #tpu.memory_space<hbm>> -> memref<80xi32, #tpu.memory_space<hbm>>
        tpu.enqueue_dma source(%dma_start3A_31 : memref<80xi32, #tpu.memory_space<hbm>>) target(%arg5 : memref<80xi32, #tpu.memory_space<vmem>>) target_semaphore(%run_scoped3A : memref<!tpu.dma_semaphore, #tpu.memory_space<semaphore_mem>>)
        %dma_wait3A = tpu.memref_slice %arg2[%add3A_30] : memref<320000xi32, #tpu.memory_space<hbm>> -> memref<80xi32, #tpu.memory_space<hbm>>
        %dma_wait3A_32 = tpu.memref_slice %arg2[%add3A_30] : memref<320000xi32, #tpu.memory_space<hbm>> -> memref<80xi32, #tpu.memory_space<hbm>>
        tpu.wait_dma2 semaphore(%run_scoped3A : memref<!tpu.dma_semaphore, #tpu.memory_space<semaphore_mem>>) src(%dma_wait3A_32 : memref<80xi32, #tpu.memory_space<hbm>>) dst(%arg5 : memref<80xi32, #tpu.memory_space<vmem>>)
        tpu.yield
      }) : () -> ()
      "tpu.region"() ({
        %run_scoped3A = tpu.sem_alloc : memref<!tpu.dma_semaphore, #tpu.memory_space<semaphore_mem>>
        %dma_start3A = arith.constant 0 : i32
        %dma_start3A_31 = tpu.memref_slice %arg4[%dma_start3A] : memref<10240xf32, #tpu.memory_space<vmem_shared>> -> memref<10240xf32, #tpu.memory_space<vmem_shared>>
        tpu.enqueue_indirect_dma source(%arg6 : memref<80xf32, #tpu.memory_space<vmem>>) target(%dma_start3A_31 : memref<10240xf32, #tpu.memory_space<vmem_shared>>) offsets(%arg5 : memref<80xi32, #tpu.memory_space<vmem>>) semaphore(%run_scoped3A : memref<!tpu.dma_semaphore, #tpu.memory_space<semaphore_mem>>) {add = true}
        %dma_wait3A = arith.constant 0 : i32
        %dma_wait3A_32 = tpu.memref_slice %arg4[%dma_wait3A] : memref<10240xf32, #tpu.memory_space<vmem_shared>> -> memref<10240xf32, #tpu.memory_space<vmem_shared>>
        tpu.wait_indirect_dma semaphore(%run_scoped3A : memref<!tpu.dma_semaphore, #tpu.memory_space<semaphore_mem>>) src(%arg6 : memref<80xf32, #tpu.memory_space<vmem>>) dst(%dma_wait3A_32 : memref<10240xf32, #tpu.memory_space<vmem_shared>>)
        tpu.yield
      }) : () -> ()
    }
    %scan3A_21 = arith.constant 125 : i32
    %barrier3A_22 = arith.constant 0 : index
    tpu.barrier barrier_id(%barrier3A_22)
    %mul3A_23 = arith.constant 640 : i32
    %mul3A_24 = arith.muli %arg1, %mul3A_23 : i32
    %mul3A_25 = arith.constant 640 : i32
    %mul3A_26 = arith.muli %arg1, %mul3A_25 : i32
    "tpu.region"() ({
      %run_scoped3A = tpu.sem_alloc : memref<!tpu.dma_semaphore, #tpu.memory_space<semaphore_mem>>
      %dma_start3A = tpu.memref_slice %arg3[%arg0, %mul3A_26] : memref<2x10240xf32, #tpu.memory_space<hbm>> -> memref<1x640xf32, #tpu.memory_space<hbm>>
      %dma_start3A_27 = tpu.memref_squeeze %dma_start3A : memref<1x640xf32, #tpu.memory_space<hbm>> -> memref<640xf32, #tpu.memory_space<hbm>>
      %dma_start3A_28 = tpu.memref_slice %arg4[%mul3A_24] : memref<10240xf32, #tpu.memory_space<vmem_shared>> -> memref<640xf32, #tpu.memory_space<vmem_shared>>
      tpu.enqueue_dma source(%dma_start3A_28 : memref<640xf32, #tpu.memory_space<vmem_shared>>) target(%dma_start3A_27 : memref<640xf32, #tpu.memory_space<hbm>>) target_semaphore(%run_scoped3A : memref<!tpu.dma_semaphore, #tpu.memory_space<semaphore_mem>>)
      %dma_wait3A = tpu.memref_slice %arg3[%arg0, %mul3A_26] : memref<2x10240xf32, #tpu.memory_space<hbm>> -> memref<1x640xf32, #tpu.memory_space<hbm>>
      %dma_wait3A_29 = tpu.memref_squeeze %dma_wait3A : memref<1x640xf32, #tpu.memory_space<hbm>> -> memref<640xf32, #tpu.memory_space<hbm>>
      %dma_wait3A_30 = tpu.memref_slice %arg4[%mul3A_24] : memref<10240xf32, #tpu.memory_space<vmem_shared>> -> memref<640xf32, #tpu.memory_space<vmem_shared>>
      tpu.wait_dma2 semaphore(%run_scoped3A : memref<!tpu.dma_semaphore, #tpu.memory_space<semaphore_mem>>) src(%dma_wait3A_30 : memref<640xf32, #tpu.memory_space<vmem_shared>>) dst(%dma_wait3A_29 : memref<640xf32, #tpu.memory_space<hbm>>)
      tpu.yield
    }) : () -> ()
    return
  }
}

#map = affine_map<(d0, d1) -> (0, 0)>
#map1 = affine_map<(d0, d1) -> (0)>
#map2 = affine_map<(d0, d1) -> (0, 0, 0)>
module attributes {stable_mosaic.version = 14 : i64} {
  func.func @_agg_sc(%arg0: i32, %arg1: i32, %arg2: memref<10000x128xf32, #tpu.memory_space<hbm>>, %arg3: memref<320000xi32, #tpu.memory_space<hbm>>, %arg4: memref<320000xi32, #tpu.memory_space<hbm>>, %arg5: memref<2x10240x128xf32, #tpu.memory_space<hbm>>, %arg6: memref<10240x128xf32, #tpu.memory_space<vmem_shared>>, %arg7: memref<80xi32, #tpu.memory_space<vmem>>, %arg8: memref<80xi32, #tpu.memory_space<vmem>>, %arg9: memref<80x128xf32, #tpu.memory_space<vmem>>, %arg10: memref<128x128xf32, #tpu.memory_space<vmem>>, %arg11: memref<!tpu.dma_semaphore, #tpu.memory_space<semaphore_mem>>) attributes {dimension_semantics = [#tpu.dimension_semantics<core_parallel>, #tpu.dimension_semantics<subcore_parallel>], iteration_bounds = array<i64: 2, 16>, scalar_prefetch = 0 : i64, scratch_operands = 6 : i64, tpu.core_type = #tpu.core_type<sc_vector_subcore>, window_params = [{transform_indices = #map}, {transform_indices = #map1}, {transform_indices = #map1}, {transform_indices = #map2}]} {
    %scan3A = arith.constant 0 : i32
    %scan3A_0 = arith.constant 0 : i32
    %scan3A_1 = arith.constant 128 : i32
    %scan3A_2 = arith.addi %scan3A_0, %scan3A_1 : i32
    %scan3A_3 = arith.constant 1 : i32
    scf.for %scan3A_55 = %scan3A_0 to %scan3A_2 step %scan3A_3  : i32 {
      %broadcast_in_dim3A = arith.constant 0.000000e+00 : f32
      %broadcast_in_dim3A_56 = vector.broadcast %broadcast_in_dim3A : f32 to vector<16xf32>
      %swap3A = arith.index_cast %scan3A_55 : i32 to index
      %swap3A_57 = arith.constant 0 : index
      %swap3A_58 = tpu.vector_load %arg10[%swap3A, %swap3A_57] {strides = array<i32>} : memref<128x128xf32, #tpu.memory_space<vmem>>, vector<1x16xf32>,
      %swap3A_59 = vector.shape_cast %swap3A_58 : vector<1x16xf32> to vector<16xf32>
      %swap3A_60 = vector.shape_cast %broadcast_in_dim3A_56 : vector<16xf32> to vector<1x16xf32>
      tpu.vector_store %arg10[%swap3A, %swap3A_57], %swap3A_60 {strides = array<i32>} : memref<128x128xf32, #tpu.memory_space<vmem>>, vector<1x16xf32>,
      %broadcast_in_dim3A_61 = arith.constant 0.000000e+00 : f32
      %broadcast_in_dim3A_62 = vector.broadcast %broadcast_in_dim3A_61 : f32 to vector<16xf32>
      %swap3A_63 = arith.index_cast %scan3A_55 : i32 to index
      %swap3A_64 = arith.constant 16 : index
      %swap3A_65 = tpu.vector_load %arg10[%swap3A_63, %swap3A_64] {strides = array<i32>} : memref<128x128xf32, #tpu.memory_space<vmem>>, vector<1x16xf32>,
      %swap3A_66 = vector.shape_cast %swap3A_65 : vector<1x16xf32> to vector<16xf32>
      %swap3A_67 = vector.shape_cast %broadcast_in_dim3A_62 : vector<16xf32> to vector<1x16xf32>
      tpu.vector_store %arg10[%swap3A_63, %swap3A_64], %swap3A_67 {strides = array<i32>} : memref<128x128xf32, #tpu.memory_space<vmem>>, vector<1x16xf32>,
      %broadcast_in_dim3A_68 = arith.constant 0.000000e+00 : f32
      %broadcast_in_dim3A_69 = vector.broadcast %broadcast_in_dim3A_68 : f32 to vector<16xf32>
      %swap3A_70 = arith.index_cast %scan3A_55 : i32 to index
      %swap3A_71 = arith.constant 32 : index
      %swap3A_72 = tpu.vector_load %arg10[%swap3A_70, %swap3A_71] {strides = array<i32>} : memref<128x128xf32, #tpu.memory_space<vmem>>, vector<1x16xf32>,
      %swap3A_73 = vector.shape_cast %swap3A_72 : vector<1x16xf32> to vector<16xf32>
      %swap3A_74 = vector.shape_cast %broadcast_in_dim3A_69 : vector<16xf32> to vector<1x16xf32>
      tpu.vector_store %arg10[%swap3A_70, %swap3A_71], %swap3A_74 {strides = array<i32>} : memref<128x128xf32, #tpu.memory_space<vmem>>, vector<1x16xf32>,
      %broadcast_in_dim3A_75 = arith.constant 0.000000e+00 : f32
      %broadcast_in_dim3A_76 = vector.broadcast %broadcast_in_dim3A_75 : f32 to vector<16xf32>
      %swap3A_77 = arith.index_cast %scan3A_55 : i32 to index
      %swap3A_78 = arith.constant 48 : index
      %swap3A_79 = tpu.vector_load %arg10[%swap3A_77, %swap3A_78] {strides = array<i32>} : memref<128x128xf32, #tpu.memory_space<vmem>>, vector<1x16xf32>,
      %swap3A_80 = vector.shape_cast %swap3A_79 : vector<1x16xf32> to vector<16xf32>
      %swap3A_81 = vector.shape_cast %broadcast_in_dim3A_76 : vector<16xf32> to vector<1x16xf32>
      tpu.vector_store %arg10[%swap3A_77, %swap3A_78], %swap3A_81 {strides = array<i32>} : memref<128x128xf32, #tpu.memory_space<vmem>>, vector<1x16xf32>,
      %broadcast_in_dim3A_82 = arith.constant 0.000000e+00 : f32
      %broadcast_in_dim3A_83 = vector.broadcast %broadcast_in_dim3A_82 : f32 to vector<16xf32>
      %swap3A_84 = arith.index_cast %scan3A_55 : i32 to index
      %swap3A_85 = arith.constant 64 : index
      %swap3A_86 = tpu.vector_load %arg10[%swap3A_84, %swap3A_85] {strides = array<i32>} : memref<128x128xf32, #tpu.memory_space<vmem>>, vector<1x16xf32>,
      %swap3A_87 = vector.shape_cast %swap3A_86 : vector<1x16xf32> to vector<16xf32>
      %swap3A_88 = vector.shape_cast %broadcast_in_dim3A_83 : vector<16xf32> to vector<1x16xf32>
      tpu.vector_store %arg10[%swap3A_84, %swap3A_85], %swap3A_88 {strides = array<i32>} : memref<128x128xf32, #tpu.memory_space<vmem>>, vector<1x16xf32>,
      %broadcast_in_dim3A_89 = arith.constant 0.000000e+00 : f32
      %broadcast_in_dim3A_90 = vector.broadcast %broadcast_in_dim3A_89 : f32 to vector<16xf32>
      %swap3A_91 = arith.index_cast %scan3A_55 : i32 to index
      %swap3A_92 = arith.constant 80 : index
      %swap3A_93 = tpu.vector_load %arg10[%swap3A_91, %swap3A_92] {strides = array<i32>} : memref<128x128xf32, #tpu.memory_space<vmem>>, vector<1x16xf32>,
      %swap3A_94 = vector.shape_cast %swap3A_93 : vector<1x16xf32> to vector<16xf32>
      %swap3A_95 = vector.shape_cast %broadcast_in_dim3A_90 : vector<16xf32> to vector<1x16xf32>
      tpu.vector_store %arg10[%swap3A_91, %swap3A_92], %swap3A_95 {strides = array<i32>} : memref<128x128xf32, #tpu.memory_space<vmem>>, vector<1x16xf32>,
      %broadcast_in_dim3A_96 = arith.constant 0.000000e+00 : f32
      %broadcast_in_dim3A_97 = vector.broadcast %broadcast_in_dim3A_96 : f32 to vector<16xf32>
      %swap3A_98 = arith.index_cast %scan3A_55 : i32 to index
      %swap3A_99 = arith.constant 96 : index
      %swap3A_100 = tpu.vector_load %arg10[%swap3A_98, %swap3A_99] {strides = array<i32>} : memref<128x128xf32, #tpu.memory_space<vmem>>, vector<1x16xf32>,
      %swap3A_101 = vector.shape_cast %swap3A_100 : vector<1x16xf32> to vector<16xf32>
      %swap3A_102 = vector.shape_cast %broadcast_in_dim3A_97 : vector<16xf32> to vector<1x16xf32>
      tpu.vector_store %arg10[%swap3A_98, %swap3A_99], %swap3A_102 {strides = array<i32>} : memref<128x128xf32, #tpu.memory_space<vmem>>, vector<1x16xf32>,
      %broadcast_in_dim3A_103 = arith.constant 0.000000e+00 : f32
      %broadcast_in_dim3A_104 = vector.broadcast %broadcast_in_dim3A_103 : f32 to vector<16xf32>
      %swap3A_105 = arith.index_cast %scan3A_55 : i32 to index
      %swap3A_106 = arith.constant 112 : index
      %swap3A_107 = tpu.vector_load %arg10[%swap3A_105, %swap3A_106] {strides = array<i32>} : memref<128x128xf32, #tpu.memory_space<vmem>>, vector<1x16xf32>,
      %swap3A_108 = vector.shape_cast %swap3A_107 : vector<1x16xf32> to vector<16xf32>
      %swap3A_109 = vector.shape_cast %broadcast_in_dim3A_104 : vector<16xf32> to vector<1x16xf32>
      tpu.vector_store %arg10[%swap3A_105, %swap3A_106], %swap3A_109 {strides = array<i32>} : memref<128x128xf32, #tpu.memory_space<vmem>>, vector<1x16xf32>,
    }
    %scan3A_4 = arith.constant 128 : i32
    %mul3A = arith.constant 640 : i32
    %mul3A_5 = arith.muli %arg1, %mul3A : i32
    %add3A = arith.constant 0 : i32
    %add3A_6 = arith.addi %mul3A_5, %add3A : i32
    "tpu.region"() ({
      %run_scoped3A = tpu.sem_alloc : memref<!tpu.dma_semaphore, #tpu.memory_space<semaphore_mem>>
      %dma_start3A = arith.constant 0 : i32
      %dma_start3A_55 = tpu.memref_slice %arg6[%add3A_6, %dma_start3A] : memref<10240x128xf32, #tpu.memory_space<vmem_shared>> -> memref<128x128xf32, #tpu.memory_space<vmem_shared>>
      %dma_start3A_56 = arith.constant 0 : i32
      %dma_start3A_57 = tpu.memref_slice %arg6[%add3A_6, %dma_start3A_56] : memref<10240x128xf32, #tpu.memory_space<vmem_shared>> -> memref<128x128xf32, #tpu.memory_space<vmem_shared>>
      tpu.enqueue_dma source(%arg10 : memref<128x128xf32, #tpu.memory_space<vmem>>) target(%dma_start3A_57 : memref<128x128xf32, #tpu.memory_space<vmem_shared>>) target_semaphore(%run_scoped3A : memref<!tpu.dma_semaphore, #tpu.memory_space<semaphore_mem>>)
      %dma_wait3A = arith.constant 0 : i32
      %dma_wait3A_58 = tpu.memref_slice %arg6[%add3A_6, %dma_wait3A] : memref<10240x128xf32, #tpu.memory_space<vmem_shared>> -> memref<128x128xf32, #tpu.memory_space<vmem_shared>>
      %dma_wait3A_59 = arith.constant 0 : i32
      %dma_wait3A_60 = tpu.memref_slice %arg6[%add3A_6, %dma_wait3A_59] : memref<10240x128xf32, #tpu.memory_space<vmem_shared>> -> memref<128x128xf32, #tpu.memory_space<vmem_shared>>
      tpu.wait_dma2 semaphore(%run_scoped3A : memref<!tpu.dma_semaphore, #tpu.memory_space<semaphore_mem>>) src(%arg10 : memref<128x128xf32, #tpu.memory_space<vmem>>) dst(%dma_wait3A_60 : memref<128x128xf32, #tpu.memory_space<vmem_shared>>)
      tpu.yield
    }) : () -> ()
    %mul3A_7 = arith.constant 640 : i32
    %mul3A_8 = arith.muli %arg1, %mul3A_7 : i32
    %add3A_9 = arith.constant 128 : i32
    %add3A_10 = arith.addi %mul3A_8, %add3A_9 : i32
    "tpu.region"() ({
      %run_scoped3A = tpu.sem_alloc : memref<!tpu.dma_semaphore, #tpu.memory_space<semaphore_mem>>
      %dma_start3A = arith.constant 0 : i32
      %dma_start3A_55 = tpu.memref_slice %arg6[%add3A_10, %dma_start3A] : memref<10240x128xf32, #tpu.memory_space<vmem_shared>> -> memref<128x128xf32, #tpu.memory_space<vmem_shared>>
      %dma_start3A_56 = arith.constant 0 : i32
      %dma_start3A_57 = tpu.memref_slice %arg6[%add3A_10, %dma_start3A_56] : memref<10240x128xf32, #tpu.memory_space<vmem_shared>> -> memref<128x128xf32, #tpu.memory_space<vmem_shared>>
      tpu.enqueue_dma source(%arg10 : memref<128x128xf32, #tpu.memory_space<vmem>>) target(%dma_start3A_57 : memref<128x128xf32, #tpu.memory_space<vmem_shared>>) target_semaphore(%run_scoped3A : memref<!tpu.dma_semaphore, #tpu.memory_space<semaphore_mem>>)
      %dma_wait3A = arith.constant 0 : i32
      %dma_wait3A_58 = tpu.memref_slice %arg6[%add3A_10, %dma_wait3A] : memref<10240x128xf32, #tpu.memory_space<vmem_shared>> -> memref<128x128xf32, #tpu.memory_space<vmem_shared>>
      %dma_wait3A_59 = arith.constant 0 : i32
      %dma_wait3A_60 = tpu.memref_slice %arg6[%add3A_10, %dma_wait3A_59] : memref<10240x128xf32, #tpu.memory_space<vmem_shared>> -> memref<128x128xf32, #tpu.memory_space<vmem_shared>>
      tpu.wait_dma2 semaphore(%run_scoped3A : memref<!tpu.dma_semaphore, #tpu.memory_space<semaphore_mem>>) src(%arg10 : memref<128x128xf32, #tpu.memory_space<vmem>>) dst(%dma_wait3A_60 : memref<128x128xf32, #tpu.memory_space<vmem_shared>>)
      tpu.yield
    }) : () -> ()
    %mul3A_11 = arith.constant 640 : i32
    %mul3A_12 = arith.muli %arg1, %mul3A_11 : i32
    %add3A_13 = arith.constant 256 : i32
    %add3A_14 = arith.addi %mul3A_12, %add3A_13 : i32
    "tpu.region"() ({
      %run_scoped3A = tpu.sem_alloc : memref<!tpu.dma_semaphore, #tpu.memory_space<semaphore_mem>>
      %dma_start3A = arith.constant 0 : i32
      %dma_start3A_55 = tpu.memref_slice %arg6[%add3A_14, %dma_start3A] : memref<10240x128xf32, #tpu.memory_space<vmem_shared>> -> memref<128x128xf32, #tpu.memory_space<vmem_shared>>
      %dma_start3A_56 = arith.constant 0 : i32
      %dma_start3A_57 = tpu.memref_slice %arg6[%add3A_14, %dma_start3A_56] : memref<10240x128xf32, #tpu.memory_space<vmem_shared>> -> memref<128x128xf32, #tpu.memory_space<vmem_shared>>
      tpu.enqueue_dma source(%arg10 : memref<128x128xf32, #tpu.memory_space<vmem>>) target(%dma_start3A_57 : memref<128x128xf32, #tpu.memory_space<vmem_shared>>) target_semaphore(%run_scoped3A : memref<!tpu.dma_semaphore, #tpu.memory_space<semaphore_mem>>)
      %dma_wait3A = arith.constant 0 : i32
      %dma_wait3A_58 = tpu.memref_slice %arg6[%add3A_14, %dma_wait3A] : memref<10240x128xf32, #tpu.memory_space<vmem_shared>> -> memref<128x128xf32, #tpu.memory_space<vmem_shared>>
      %dma_wait3A_59 = arith.constant 0 : i32
      %dma_wait3A_60 = tpu.memref_slice %arg6[%add3A_14, %dma_wait3A_59] : memref<10240x128xf32, #tpu.memory_space<vmem_shared>> -> memref<128x128xf32, #tpu.memory_space<vmem_shared>>
      tpu.wait_dma2 semaphore(%run_scoped3A : memref<!tpu.dma_semaphore, #tpu.memory_space<semaphore_mem>>) src(%arg10 : memref<128x128xf32, #tpu.memory_space<vmem>>) dst(%dma_wait3A_60 : memref<128x128xf32, #tpu.memory_space<vmem_shared>>)
      tpu.yield
    }) : () -> ()
    %mul3A_15 = arith.constant 640 : i32
    %mul3A_16 = arith.muli %arg1, %mul3A_15 : i32
    %add3A_17 = arith.constant 384 : i32
    %add3A_18 = arith.addi %mul3A_16, %add3A_17 : i32
    "tpu.region"() ({
      %run_scoped3A = tpu.sem_alloc : memref<!tpu.dma_semaphore, #tpu.memory_space<semaphore_mem>>
      %dma_start3A = arith.constant 0 : i32
      %dma_start3A_55 = tpu.memref_slice %arg6[%add3A_18, %dma_start3A] : memref<10240x128xf32, #tpu.memory_space<vmem_shared>> -> memref<128x128xf32, #tpu.memory_space<vmem_shared>>
      %dma_start3A_56 = arith.constant 0 : i32
      %dma_start3A_57 = tpu.memref_slice %arg6[%add3A_18, %dma_start3A_56] : memref<10240x128xf32, #tpu.memory_space<vmem_shared>> -> memref<128x128xf32, #tpu.memory_space<vmem_shared>>
      tpu.enqueue_dma source(%arg10 : memref<128x128xf32, #tpu.memory_space<vmem>>) target(%dma_start3A_57 : memref<128x128xf32, #tpu.memory_space<vmem_shared>>) target_semaphore(%run_scoped3A : memref<!tpu.dma_semaphore, #tpu.memory_space<semaphore_mem>>)
      %dma_wait3A = arith.constant 0 : i32
      %dma_wait3A_58 = tpu.memref_slice %arg6[%add3A_18, %dma_wait3A] : memref<10240x128xf32, #tpu.memory_space<vmem_shared>> -> memref<128x128xf32, #tpu.memory_space<vmem_shared>>
      %dma_wait3A_59 = arith.constant 0 : i32
      %dma_wait3A_60 = tpu.memref_slice %arg6[%add3A_18, %dma_wait3A_59] : memref<10240x128xf32, #tpu.memory_space<vmem_shared>> -> memref<128x128xf32, #tpu.memory_space<vmem_shared>>
      tpu.wait_dma2 semaphore(%run_scoped3A : memref<!tpu.dma_semaphore, #tpu.memory_space<semaphore_mem>>) src(%arg10 : memref<128x128xf32, #tpu.memory_space<vmem>>) dst(%dma_wait3A_60 : memref<128x128xf32, #tpu.memory_space<vmem_shared>>)
      tpu.yield
    }) : () -> ()
    %mul3A_19 = arith.constant 640 : i32
    %mul3A_20 = arith.muli %arg1, %mul3A_19 : i32
    %add3A_21 = arith.constant 512 : i32
    %add3A_22 = arith.addi %mul3A_20, %add3A_21 : i32
    "tpu.region"() ({
      %run_scoped3A = tpu.sem_alloc : memref<!tpu.dma_semaphore, #tpu.memory_space<semaphore_mem>>
      %dma_start3A = arith.constant 0 : i32
      %dma_start3A_55 = tpu.memref_slice %arg6[%add3A_22, %dma_start3A] : memref<10240x128xf32, #tpu.memory_space<vmem_shared>> -> memref<128x128xf32, #tpu.memory_space<vmem_shared>>
      %dma_start3A_56 = arith.constant 0 : i32
      %dma_start3A_57 = tpu.memref_slice %arg6[%add3A_22, %dma_start3A_56] : memref<10240x128xf32, #tpu.memory_space<vmem_shared>> -> memref<128x128xf32, #tpu.memory_space<vmem_shared>>
      tpu.enqueue_dma source(%arg10 : memref<128x128xf32, #tpu.memory_space<vmem>>) target(%dma_start3A_57 : memref<128x128xf32, #tpu.memory_space<vmem_shared>>) target_semaphore(%run_scoped3A : memref<!tpu.dma_semaphore, #tpu.memory_space<semaphore_mem>>)
      %dma_wait3A = arith.constant 0 : i32
      %dma_wait3A_58 = tpu.memref_slice %arg6[%add3A_22, %dma_wait3A] : memref<10240x128xf32, #tpu.memory_space<vmem_shared>> -> memref<128x128xf32, #tpu.memory_space<vmem_shared>>
      %dma_wait3A_59 = arith.constant 0 : i32
      %dma_wait3A_60 = tpu.memref_slice %arg6[%add3A_22, %dma_wait3A_59] : memref<10240x128xf32, #tpu.memory_space<vmem_shared>> -> memref<128x128xf32, #tpu.memory_space<vmem_shared>>
      tpu.wait_dma2 semaphore(%run_scoped3A : memref<!tpu.dma_semaphore, #tpu.memory_space<semaphore_mem>>) src(%arg10 : memref<128x128xf32, #tpu.memory_space<vmem>>) dst(%dma_wait3A_60 : memref<128x128xf32, #tpu.memory_space<vmem_shared>>)
      tpu.yield
    }) : () -> ()
    %barrier3A = arith.constant 0 : index
    tpu.barrier barrier_id(%barrier3A)
    %mul3A_23 = arith.constant 160000 : i32
    %mul3A_24 = arith.muli %arg0, %mul3A_23 : i32
    %mul3A_25 = arith.constant 10000 : i32
    %mul3A_26 = arith.muli %arg1, %mul3A_25 : i32
    %add3A_27 = arith.addi %mul3A_24, %mul3A_26 : i32
    %scan3A_28 = arith.constant 0 : i32
    %scan3A_29 = arith.constant 0 : i32
    %scan3A_30 = arith.constant 125 : i32
    %scan3A_31 = arith.addi %scan3A_29, %scan3A_30 : i32
    %scan3A_32 = arith.constant 1 : i32
    scf.for %scan3A_55 = %scan3A_29 to %scan3A_31 step %scan3A_32  : i32 {
      %mul3A_56 = arith.constant 80 : i32
      %mul3A_57 = arith.muli %scan3A_55, %mul3A_56 : i32
      %add3A_58 = arith.addi %add3A_27, %mul3A_57 : i32
      "tpu.region"() ({
        %run_scoped3A = tpu.sem_alloc : memref<!tpu.dma_semaphore, #tpu.memory_space<semaphore_mem>>
        %dma_start3A_66 = tpu.memref_slice %arg3[%add3A_58] : memref<320000xi32, #tpu.memory_space<hbm>> -> memref<80xi32, #tpu.memory_space<hbm>>
        %dma_start3A_67 = tpu.memref_slice %arg3[%add3A_58] : memref<320000xi32, #tpu.memory_space<hbm>> -> memref<80xi32, #tpu.memory_space<hbm>>
        tpu.enqueue_dma source(%dma_start3A_67 : memref<80xi32, #tpu.memory_space<hbm>>) target(%arg7 : memref<80xi32, #tpu.memory_space<vmem>>) target_semaphore(%run_scoped3A : memref<!tpu.dma_semaphore, #tpu.memory_space<semaphore_mem>>)
        %dma_wait3A_68 = tpu.memref_slice %arg3[%add3A_58] : memref<320000xi32, #tpu.memory_space<hbm>> -> memref<80xi32, #tpu.memory_space<hbm>>
        %dma_wait3A_69 = tpu.memref_slice %arg3[%add3A_58] : memref<320000xi32, #tpu.memory_space<hbm>> -> memref<80xi32, #tpu.memory_space<hbm>>
        tpu.wait_dma2 semaphore(%run_scoped3A : memref<!tpu.dma_semaphore, #tpu.memory_space<semaphore_mem>>) src(%dma_wait3A_69 : memref<80xi32, #tpu.memory_space<hbm>>) dst(%arg7 : memref<80xi32, #tpu.memory_space<vmem>>)
        tpu.yield
      }) : () -> ()
      %mul3A_59 = arith.constant 80 : i32
      %mul3A_60 = arith.muli %scan3A_55, %mul3A_59 : i32
      %add3A_61 = arith.addi %add3A_27, %mul3A_60 : i32
      "tpu.region"() ({
        %run_scoped3A = tpu.sem_alloc : memref<!tpu.dma_semaphore, #tpu.memory_space<semaphore_mem>>
        %dma_start3A_66 = tpu.memref_slice %arg4[%add3A_61] : memref<320000xi32, #tpu.memory_space<hbm>> -> memref<80xi32, #tpu.memory_space<hbm>>
        %dma_start3A_67 = tpu.memref_slice %arg4[%add3A_61] : memref<320000xi32, #tpu.memory_space<hbm>> -> memref<80xi32, #tpu.memory_space<hbm>>
        tpu.enqueue_dma source(%dma_start3A_67 : memref<80xi32, #tpu.memory_space<hbm>>) target(%arg8 : memref<80xi32, #tpu.memory_space<vmem>>) target_semaphore(%run_scoped3A : memref<!tpu.dma_semaphore, #tpu.memory_space<semaphore_mem>>)
        %dma_wait3A_68 = tpu.memref_slice %arg4[%add3A_61] : memref<320000xi32, #tpu.memory_space<hbm>> -> memref<80xi32, #tpu.memory_space<hbm>>
        %dma_wait3A_69 = tpu.memref_slice %arg4[%add3A_61] : memref<320000xi32, #tpu.memory_space<hbm>> -> memref<80xi32, #tpu.memory_space<hbm>>
        tpu.wait_dma2 semaphore(%run_scoped3A : memref<!tpu.dma_semaphore, #tpu.memory_space<semaphore_mem>>) src(%dma_wait3A_69 : memref<80xi32, #tpu.memory_space<hbm>>) dst(%arg8 : memref<80xi32, #tpu.memory_space<vmem>>)
        tpu.yield
      }) : () -> ()
      %dma_start3A = arith.constant 0 : i32
      %dma_start3A_62 = arith.constant 0 : i32
      %dma_start3A_63 = tpu.memref_slice %arg2[%dma_start3A, %dma_start3A_62] : memref<10000x128xf32, #tpu.memory_space<hbm>> -> memref<10000x128xf32, #tpu.memory_space<hbm>>
      tpu.enqueue_indirect_dma source(%dma_start3A_63 : memref<10000x128xf32, #tpu.memory_space<hbm>>) target(%arg9 : memref<80x128xf32, #tpu.memory_space<vmem>>) offsets(%arg7 : memref<80xi32, #tpu.memory_space<vmem>>) semaphore(%arg11 : memref<!tpu.dma_semaphore, #tpu.memory_space<semaphore_mem>>)
      %dma_wait3A = arith.constant 0 : i32
      %dma_wait3A_64 = arith.constant 0 : i32
      %dma_wait3A_65 = tpu.memref_slice %arg2[%dma_wait3A, %dma_wait3A_64] : memref<10000x128xf32, #tpu.memory_space<hbm>> -> memref<10000x128xf32, #tpu.memory_space<hbm>>
      tpu.wait_indirect_dma semaphore(%arg11 : memref<!tpu.dma_semaphore, #tpu.memory_space<semaphore_mem>>) src(%dma_wait3A_65 : memref<10000x128xf32, #tpu.memory_space<hbm>>) dst(%arg9 : memref<80x128xf32, #tpu.memory_space<vmem>>)
      "tpu.region"() ({
        %run_scoped3A = tpu.sem_alloc : memref<!tpu.dma_semaphore, #tpu.memory_space<semaphore_mem>>
        %dma_start3A_66 = arith.constant 0 : i32
        %dma_start3A_67 = arith.constant 0 : i32
        %dma_start3A_68 = tpu.memref_slice %arg6[%dma_start3A_66, %dma_start3A_67] : memref<10240x128xf32, #tpu.memory_space<vmem_shared>> -> memref<10240x128xf32, #tpu.memory_space<vmem_shared>>
        tpu.enqueue_indirect_dma source(%arg9 : memref<80x128xf32, #tpu.memory_space<vmem>>) target(%dma_start3A_68 : memref<10240x128xf32, #tpu.memory_space<vmem_shared>>) offsets(%arg8 : memref<80xi32, #tpu.memory_space<vmem>>) semaphore(%run_scoped3A : memref<!tpu.dma_semaphore, #tpu.memory_space<semaphore_mem>>) {add = true}
        %dma_wait3A_69 = arith.constant 0 : i32
        %dma_wait3A_70 = arith.constant 0 : i32
        %dma_wait3A_71 = tpu.memref_slice %arg6[%dma_wait3A_69, %dma_wait3A_70] : memref<10240x128xf32, #tpu.memory_space<vmem_shared>> -> memref<10240x128xf32, #tpu.memory_space<vmem_shared>>
        tpu.wait_indirect_dma semaphore(%run_scoped3A : memref<!tpu.dma_semaphore, #tpu.memory_space<semaphore_mem>>) src(%arg9 : memref<80x128xf32, #tpu.memory_space<vmem>>) dst(%dma_wait3A_71 : memref<10240x128xf32, #tpu.memory_space<vmem_shared>>)
        tpu.yield
      }) : () -> ()
    }
    %scan3A_33 = arith.constant 125 : i32
    %barrier3A_34 = arith.constant 0 : index
    tpu.barrier barrier_id(%barrier3A_34)
    %mul3A_35 = arith.constant 640 : i32
    %mul3A_36 = arith.muli %arg1, %mul3A_35 : i32
    %add3A_37 = arith.constant 0 : i32
    %add3A_38 = arith.addi %mul3A_36, %add3A_37 : i32
    "tpu.region"() ({
      %run_scoped3A = tpu.sem_alloc : memref<!tpu.dma_semaphore, #tpu.memory_space<semaphore_mem>>
      %dma_start3A = arith.constant 0 : i32
      %dma_start3A_55 = tpu.memref_slice %arg5[%arg0, %add3A_38, %dma_start3A] : memref<2x10240x128xf32, #tpu.memory_space<hbm>> -> memref<1x128x128xf32, #tpu.memory_space<hbm>>
      %dma_start3A_56 = tpu.memref_squeeze %dma_start3A_55 : memref<1x128x128xf32, #tpu.memory_space<hbm>> -> memref<128x128xf32, #tpu.memory_space<hbm>>
      %dma_start3A_57 = arith.constant 0 : i32
      %dma_start3A_58 = tpu.memref_slice %arg6[%add3A_38, %dma_start3A_57] : memref<10240x128xf32, #tpu.memory_space<vmem_shared>> -> memref<128x128xf32, #tpu.memory_space<vmem_shared>>
      tpu.enqueue_dma source(%dma_start3A_58 : memref<128x128xf32, #tpu.memory_space<vmem_shared>>) target(%dma_start3A_56 : memref<128x128xf32, #tpu.memory_space<hbm>>) target_semaphore(%run_scoped3A : memref<!tpu.dma_semaphore, #tpu.memory_space<semaphore_mem>>)
      %dma_wait3A = arith.constant 0 : i32
      %dma_wait3A_59 = tpu.memref_slice %arg5[%arg0, %add3A_38, %dma_wait3A] : memref<2x10240x128xf32, #tpu.memory_space<hbm>> -> memref<1x128x128xf32, #tpu.memory_space<hbm>>
      %dma_wait3A_60 = tpu.memref_squeeze %dma_wait3A_59 : memref<1x128x128xf32, #tpu.memory_space<hbm>> -> memref<128x128xf32, #tpu.memory_space<hbm>>
      %dma_wait3A_61 = arith.constant 0 : i32
      %dma_wait3A_62 = tpu.memref_slice %arg6[%add3A_38, %dma_wait3A_61] : memref<10240x128xf32, #tpu.memory_space<vmem_shared>> -> memref<128x128xf32, #tpu.memory_space<vmem_shared>>
      tpu.wait_dma2 semaphore(%run_scoped3A : memref<!tpu.dma_semaphore, #tpu.memory_space<semaphore_mem>>) src(%dma_wait3A_62 : memref<128x128xf32, #tpu.memory_space<vmem_shared>>) dst(%dma_wait3A_60 : memref<128x128xf32, #tpu.memory_space<hbm>>)
      tpu.yield
    }) : () -> ()
    %mul3A_39 = arith.constant 640 : i32
    %mul3A_40 = arith.muli %arg1, %mul3A_39 : i32
    %add3A_41 = arith.constant 128 : i32
    %add3A_42 = arith.addi %mul3A_40, %add3A_41 : i32
    "tpu.region"() ({
      %run_scoped3A = tpu.sem_alloc : memref<!tpu.dma_semaphore, #tpu.memory_space<semaphore_mem>>
      %dma_start3A = arith.constant 0 : i32
      %dma_start3A_55 = tpu.memref_slice %arg5[%arg0, %add3A_42, %dma_start3A] : memref<2x10240x128xf32, #tpu.memory_space<hbm>> -> memref<1x128x128xf32, #tpu.memory_space<hbm>>
      %dma_start3A_56 = tpu.memref_squeeze %dma_start3A_55 : memref<1x128x128xf32, #tpu.memory_space<hbm>> -> memref<128x128xf32, #tpu.memory_space<hbm>>
      %dma_start3A_57 = arith.constant 0 : i32
      %dma_start3A_58 = tpu.memref_slice %arg6[%add3A_42, %dma_start3A_57] : memref<10240x128xf32, #tpu.memory_space<vmem_shared>> -> memref<128x128xf32, #tpu.memory_space<vmem_shared>>
      tpu.enqueue_dma source(%dma_start3A_58 : memref<128x128xf32, #tpu.memory_space<vmem_shared>>) target(%dma_start3A_56 : memref<128x128xf32, #tpu.memory_space<hbm>>) target_semaphore(%run_scoped3A : memref<!tpu.dma_semaphore, #tpu.memory_space<semaphore_mem>>)
      %dma_wait3A = arith.constant 0 : i32
      %dma_wait3A_59 = tpu.memref_slice %arg5[%arg0, %add3A_42, %dma_wait3A] : memref<2x10240x128xf32, #tpu.memory_space<hbm>> -> memref<1x128x128xf32, #tpu.memory_space<hbm>>
      %dma_wait3A_60 = tpu.memref_squeeze %dma_wait3A_59 : memref<1x128x128xf32, #tpu.memory_space<hbm>> -> memref<128x128xf32, #tpu.memory_space<hbm>>
      %dma_wait3A_61 = arith.constant 0 : i32
      %dma_wait3A_62 = tpu.memref_slice %arg6[%add3A_42, %dma_wait3A_61] : memref<10240x128xf32, #tpu.memory_space<vmem_shared>> -> memref<128x128xf32, #tpu.memory_space<vmem_shared>>
      tpu.wait_dma2 semaphore(%run_scoped3A : memref<!tpu.dma_semaphore, #tpu.memory_space<semaphore_mem>>) src(%dma_wait3A_62 : memref<128x128xf32, #tpu.memory_space<vmem_shared>>) dst(%dma_wait3A_60 : memref<128x128xf32, #tpu.memory_space<hbm>>)
      tpu.yield
    }) : () -> ()
    %mul3A_43 = arith.constant 640 : i32
    %mul3A_44 = arith.muli %arg1, %mul3A_43 : i32
    %add3A_45 = arith.constant 256 : i32
    %add3A_46 = arith.addi %mul3A_44, %add3A_45 : i32
    "tpu.region"() ({
      %run_scoped3A = tpu.sem_alloc : memref<!tpu.dma_semaphore, #tpu.memory_space<semaphore_mem>>
      %dma_start3A = arith.constant 0 : i32
      %dma_start3A_55 = tpu.memref_slice %arg5[%arg0, %add3A_46, %dma_start3A] : memref<2x10240x128xf32, #tpu.memory_space<hbm>> -> memref<1x128x128xf32, #tpu.memory_space<hbm>>
      %dma_start3A_56 = tpu.memref_squeeze %dma_start3A_55 : memref<1x128x128xf32, #tpu.memory_space<hbm>> -> memref<128x128xf32, #tpu.memory_space<hbm>>
      %dma_start3A_57 = arith.constant 0 : i32
      %dma_start3A_58 = tpu.memref_slice %arg6[%add3A_46, %dma_start3A_57] : memref<10240x128xf32, #tpu.memory_space<vmem_shared>> -> memref<128x128xf32, #tpu.memory_space<vmem_shared>>
      tpu.enqueue_dma source(%dma_start3A_58 : memref<128x128xf32, #tpu.memory_space<vmem_shared>>) target(%dma_start3A_56 : memref<128x128xf32, #tpu.memory_space<hbm>>) target_semaphore(%run_scoped3A : memref<!tpu.dma_semaphore, #tpu.memory_space<semaphore_mem>>)
      %dma_wait3A = arith.constant 0 : i32
      %dma_wait3A_59 = tpu.memref_slice %arg5[%arg0, %add3A_46, %dma_wait3A] : memref<2x10240x128xf32, #tpu.memory_space<hbm>> -> memref<1x128x128xf32, #tpu.memory_space<hbm>>
      %dma_wait3A_60 = tpu.memref_squeeze %dma_wait3A_59 : memref<1x128x128xf32, #tpu.memory_space<hbm>> -> memref<128x128xf32, #tpu.memory_space<hbm>>
      %dma_wait3A_61 = arith.constant 0 : i32
      %dma_wait3A_62 = tpu.memref_slice %arg6[%add3A_46, %dma_wait3A_61] : memref<10240x128xf32, #tpu.memory_space<vmem_shared>> -> memref<128x128xf32, #tpu.memory_space<vmem_shared>>
      tpu.wait_dma2 semaphore(%run_scoped3A : memref<!tpu.dma_semaphore, #tpu.memory_space<semaphore_mem>>) src(%dma_wait3A_62 : memref<128x128xf32, #tpu.memory_space<vmem_shared>>) dst(%dma_wait3A_60 : memref<128x128xf32, #tpu.memory_space<hbm>>)
      tpu.yield
    }) : () -> ()
    %mul3A_47 = arith.constant 640 : i32
    %mul3A_48 = arith.muli %arg1, %mul3A_47 : i32
    %add3A_49 = arith.constant 384 : i32
    %add3A_50 = arith.addi %mul3A_48, %add3A_49 : i32
    "tpu.region"() ({
      %run_scoped3A = tpu.sem_alloc : memref<!tpu.dma_semaphore, #tpu.memory_space<semaphore_mem>>
      %dma_start3A = arith.constant 0 : i32
      %dma_start3A_55 = tpu.memref_slice %arg5[%arg0, %add3A_50, %dma_start3A] : memref<2x10240x128xf32, #tpu.memory_space<hbm>> -> memref<1x128x128xf32, #tpu.memory_space<hbm>>
      %dma_start3A_56 = tpu.memref_squeeze %dma_start3A_55 : memref<1x128x128xf32, #tpu.memory_space<hbm>> -> memref<128x128xf32, #tpu.memory_space<hbm>>
      %dma_start3A_57 = arith.constant 0 : i32
      %dma_start3A_58 = tpu.memref_slice %arg6[%add3A_50, %dma_start3A_57] : memref<10240x128xf32, #tpu.memory_space<vmem_shared>> -> memref<128x128xf32, #tpu.memory_space<vmem_shared>>
      tpu.enqueue_dma source(%dma_start3A_58 : memref<128x128xf32, #tpu.memory_space<vmem_shared>>) target(%dma_start3A_56 : memref<128x128xf32, #tpu.memory_space<hbm>>) target_semaphore(%run_scoped3A : memref<!tpu.dma_semaphore, #tpu.memory_space<semaphore_mem>>)
      %dma_wait3A = arith.constant 0 : i32
      %dma_wait3A_59 = tpu.memref_slice %arg5[%arg0, %add3A_50, %dma_wait3A] : memref<2x10240x128xf32, #tpu.memory_space<hbm>> -> memref<1x128x128xf32, #tpu.memory_space<hbm>>
      %dma_wait3A_60 = tpu.memref_squeeze %dma_wait3A_59 : memref<1x128x128xf32, #tpu.memory_space<hbm>> -> memref<128x128xf32, #tpu.memory_space<hbm>>
      %dma_wait3A_61 = arith.constant 0 : i32
      %dma_wait3A_62 = tpu.memref_slice %arg6[%add3A_50, %dma_wait3A_61] : memref<10240x128xf32, #tpu.memory_space<vmem_shared>> -> memref<128x128xf32, #tpu.memory_space<vmem_shared>>
      tpu.wait_dma2 semaphore(%run_scoped3A : memref<!tpu.dma_semaphore, #tpu.memory_space<semaphore_mem>>) src(%dma_wait3A_62 : memref<128x128xf32, #tpu.memory_space<vmem_shared>>) dst(%dma_wait3A_60 : memref<128x128xf32, #tpu.memory_space<hbm>>)
      tpu.yield
    }) : () -> ()
    %mul3A_51 = arith.constant 640 : i32
    %mul3A_52 = arith.muli %arg1, %mul3A_51 : i32
    %add3A_53 = arith.constant 512 : i32
    %add3A_54 = arith.addi %mul3A_52, %add3A_53 : i32
    "tpu.region"() ({
      %run_scoped3A = tpu.sem_alloc : memref<!tpu.dma_semaphore, #tpu.memory_space<semaphore_mem>>
      %dma_start3A = arith.constant 0 : i32
      %dma_start3A_55 = tpu.memref_slice %arg5[%arg0, %add3A_54, %dma_start3A] : memref<2x10240x128xf32, #tpu.memory_space<hbm>> -> memref<1x128x128xf32, #tpu.memory_space<hbm>>
      %dma_start3A_56 = tpu.memref_squeeze %dma_start3A_55 : memref<1x128x128xf32, #tpu.memory_space<hbm>> -> memref<128x128xf32, #tpu.memory_space<hbm>>
      %dma_start3A_57 = arith.constant 0 : i32
      %dma_start3A_58 = tpu.memref_slice %arg6[%add3A_54, %dma_start3A_57] : memref<10240x128xf32, #tpu.memory_space<vmem_shared>> -> memref<128x128xf32, #tpu.memory_space<vmem_shared>>
      tpu.enqueue_dma source(%dma_start3A_58 : memref<128x128xf32, #tpu.memory_space<vmem_shared>>) target(%dma_start3A_56 : memref<128x128xf32, #tpu.memory_space<hbm>>) target_semaphore(%run_scoped3A : memref<!tpu.dma_semaphore, #tpu.memory_space<semaphore_mem>>)
      %dma_wait3A = arith.constant 0 : i32
      %dma_wait3A_59 = tpu.memref_slice %arg5[%arg0, %add3A_54, %dma_wait3A] : memref<2x10240x128xf32, #tpu.memory_space<hbm>> -> memref<1x128x128xf32, #tpu.memory_space<hbm>>
      %dma_wait3A_60 = tpu.memref_squeeze %dma_wait3A_59 : memref<1x128x128xf32, #tpu.memory_space<hbm>> -> memref<128x128xf32, #tpu.memory_space<hbm>>
      %dma_wait3A_61 = arith.constant 0 : i32
      %dma_wait3A_62 = tpu.memref_slice %arg6[%add3A_54, %dma_wait3A_61] : memref<10240x128xf32, #tpu.memory_space<vmem_shared>> -> memref<128x128xf32, #tpu.memory_space<vmem_shared>>
      tpu.wait_dma2 semaphore(%run_scoped3A : memref<!tpu.dma_semaphore, #tpu.memory_space<semaphore_mem>>) src(%dma_wait3A_62 : memref<128x128xf32, #tpu.memory_space<vmem_shared>>) dst(%dma_wait3A_60 : memref<128x128xf32, #tpu.memory_space<hbm>>)
      tpu.yield
    }) : () -> ()
    return
  }
}

#map = affine_map<(d0, d1) -> (0, 0)>
#map1 = affine_map<(d0, d1) -> (0)>
#map2 = affine_map<(d0, d1) -> (0, 0, 0)>
module attributes {stable_mosaic.version = 14 : i64} {
  func.func @_agg_sc(%arg0: i32, %arg1: i32, %arg2: memref<10000x128xf32, #tpu.memory_space<hbm>>, %arg3: memref<320000xi32, #tpu.memory_space<hbm>>, %arg4: memref<320000xi32, #tpu.memory_space<hbm>>, %arg5: memref<2x10240x128xf32, #tpu.memory_space<hbm>>, %arg6: memref<10240x128xf32, #tpu.memory_space<vmem_shared>>, %arg7: memref<80xi32, #tpu.memory_space<vmem>>, %arg8: memref<80xi32, #tpu.memory_space<vmem>>, %arg9: memref<80x128xf32, #tpu.memory_space<vmem>>, %arg10: memref<128x128xf32, #tpu.memory_space<vmem>>, %arg11: memref<!tpu.dma_semaphore, #tpu.memory_space<semaphore_mem>>) attributes {dimension_semantics = [#tpu.dimension_semantics<core_parallel>, #tpu.dimension_semantics<subcore_parallel>], iteration_bounds = array<i64: 2, 16>, scalar_prefetch = 0 : i64, scratch_operands = 6 : i64, tpu.core_type = #tpu.core_type<sc_vector_subcore>, window_params = [{transform_indices = #map}, {transform_indices = #map1}, {transform_indices = #map1}, {transform_indices = #map2}]} {
    %scan3A = arith.constant 0 : i32
    %scan3A_0 = arith.constant 0 : i32
    %scan3A_1 = arith.constant 128 : i32
    %scan3A_2 = arith.addi %scan3A_0, %scan3A_1 : i32
    %scan3A_3 = arith.constant 1 : i32
    scf.for %scan3A_55 = %scan3A_0 to %scan3A_2 step %scan3A_3  : i32 {
      %broadcast_in_dim3A = arith.constant 0.000000e+00 : f32
      %broadcast_in_dim3A_56 = vector.broadcast %broadcast_in_dim3A : f32 to vector<16xf32>
      %swap3A = arith.index_cast %scan3A_55 : i32 to index
      %swap3A_57 = arith.constant 0 : index
      %swap3A_58 = tpu.vector_load %arg10[%swap3A, %swap3A_57] {strides = array<i32>} : memref<128x128xf32, #tpu.memory_space<vmem>>, vector<1x16xf32>,
      %swap3A_59 = vector.shape_cast %swap3A_58 : vector<1x16xf32> to vector<16xf32>
      %swap3A_60 = vector.shape_cast %broadcast_in_dim3A_56 : vector<16xf32> to vector<1x16xf32>
      tpu.vector_store %arg10[%swap3A, %swap3A_57], %swap3A_60 {strides = array<i32>} : memref<128x128xf32, #tpu.memory_space<vmem>>, vector<1x16xf32>,
      %broadcast_in_dim3A_61 = arith.constant 0.000000e+00 : f32
      %broadcast_in_dim3A_62 = vector.broadcast %broadcast_in_dim3A_61 : f32 to vector<16xf32>
      %swap3A_63 = arith.index_cast %scan3A_55 : i32 to index
      %swap3A_64 = arith.constant 16 : index
      %swap3A_65 = tpu.vector_load %arg10[%swap3A_63, %swap3A_64] {strides = array<i32>} : memref<128x128xf32, #tpu.memory_space<vmem>>, vector<1x16xf32>,
      %swap3A_66 = vector.shape_cast %swap3A_65 : vector<1x16xf32> to vector<16xf32>
      %swap3A_67 = vector.shape_cast %broadcast_in_dim3A_62 : vector<16xf32> to vector<1x16xf32>
      tpu.vector_store %arg10[%swap3A_63, %swap3A_64], %swap3A_67 {strides = array<i32>} : memref<128x128xf32, #tpu.memory_space<vmem>>, vector<1x16xf32>,
      %broadcast_in_dim3A_68 = arith.constant 0.000000e+00 : f32
      %broadcast_in_dim3A_69 = vector.broadcast %broadcast_in_dim3A_68 : f32 to vector<16xf32>
      %swap3A_70 = arith.index_cast %scan3A_55 : i32 to index
      %swap3A_71 = arith.constant 32 : index
      %swap3A_72 = tpu.vector_load %arg10[%swap3A_70, %swap3A_71] {strides = array<i32>} : memref<128x128xf32, #tpu.memory_space<vmem>>, vector<1x16xf32>,
      %swap3A_73 = vector.shape_cast %swap3A_72 : vector<1x16xf32> to vector<16xf32>
      %swap3A_74 = vector.shape_cast %broadcast_in_dim3A_69 : vector<16xf32> to vector<1x16xf32>
      tpu.vector_store %arg10[%swap3A_70, %swap3A_71], %swap3A_74 {strides = array<i32>} : memref<128x128xf32, #tpu.memory_space<vmem>>, vector<1x16xf32>,
      %broadcast_in_dim3A_75 = arith.constant 0.000000e+00 : f32
      %broadcast_in_dim3A_76 = vector.broadcast %broadcast_in_dim3A_75 : f32 to vector<16xf32>
      %swap3A_77 = arith.index_cast %scan3A_55 : i32 to index
      %swap3A_78 = arith.constant 48 : index
      %swap3A_79 = tpu.vector_load %arg10[%swap3A_77, %swap3A_78] {strides = array<i32>} : memref<128x128xf32, #tpu.memory_space<vmem>>, vector<1x16xf32>,
      %swap3A_80 = vector.shape_cast %swap3A_79 : vector<1x16xf32> to vector<16xf32>
      %swap3A_81 = vector.shape_cast %broadcast_in_dim3A_76 : vector<16xf32> to vector<1x16xf32>
      tpu.vector_store %arg10[%swap3A_77, %swap3A_78], %swap3A_81 {strides = array<i32>} : memref<128x128xf32, #tpu.memory_space<vmem>>, vector<1x16xf32>,
      %broadcast_in_dim3A_82 = arith.constant 0.000000e+00 : f32
      %broadcast_in_dim3A_83 = vector.broadcast %broadcast_in_dim3A_82 : f32 to vector<16xf32>
      %swap3A_84 = arith.index_cast %scan3A_55 : i32 to index
      %swap3A_85 = arith.constant 64 : index
      %swap3A_86 = tpu.vector_load %arg10[%swap3A_84, %swap3A_85] {strides = array<i32>} : memref<128x128xf32, #tpu.memory_space<vmem>>, vector<1x16xf32>,
      %swap3A_87 = vector.shape_cast %swap3A_86 : vector<1x16xf32> to vector<16xf32>
      %swap3A_88 = vector.shape_cast %broadcast_in_dim3A_83 : vector<16xf32> to vector<1x16xf32>
      tpu.vector_store %arg10[%swap3A_84, %swap3A_85], %swap3A_88 {strides = array<i32>} : memref<128x128xf32, #tpu.memory_space<vmem>>, vector<1x16xf32>,
      %broadcast_in_dim3A_89 = arith.constant 0.000000e+00 : f32
      %broadcast_in_dim3A_90 = vector.broadcast %broadcast_in_dim3A_89 : f32 to vector<16xf32>
      %swap3A_91 = arith.index_cast %scan3A_55 : i32 to index
      %swap3A_92 = arith.constant 80 : index
      %swap3A_93 = tpu.vector_load %arg10[%swap3A_91, %swap3A_92] {strides = array<i32>} : memref<128x128xf32, #tpu.memory_space<vmem>>, vector<1x16xf32>,
      %swap3A_94 = vector.shape_cast %swap3A_93 : vector<1x16xf32> to vector<16xf32>
      %swap3A_95 = vector.shape_cast %broadcast_in_dim3A_90 : vector<16xf32> to vector<1x16xf32>
      tpu.vector_store %arg10[%swap3A_91, %swap3A_92], %swap3A_95 {strides = array<i32>} : memref<128x128xf32, #tpu.memory_space<vmem>>, vector<1x16xf32>,
      %broadcast_in_dim3A_96 = arith.constant 0.000000e+00 : f32
      %broadcast_in_dim3A_97 = vector.broadcast %broadcast_in_dim3A_96 : f32 to vector<16xf32>
      %swap3A_98 = arith.index_cast %scan3A_55 : i32 to index
      %swap3A_99 = arith.constant 96 : index
      %swap3A_100 = tpu.vector_load %arg10[%swap3A_98, %swap3A_99] {strides = array<i32>} : memref<128x128xf32, #tpu.memory_space<vmem>>, vector<1x16xf32>,
      %swap3A_101 = vector.shape_cast %swap3A_100 : vector<1x16xf32> to vector<16xf32>
      %swap3A_102 = vector.shape_cast %broadcast_in_dim3A_97 : vector<16xf32> to vector<1x16xf32>
      tpu.vector_store %arg10[%swap3A_98, %swap3A_99], %swap3A_102 {strides = array<i32>} : memref<128x128xf32, #tpu.memory_space<vmem>>, vector<1x16xf32>,
      %broadcast_in_dim3A_103 = arith.constant 0.000000e+00 : f32
      %broadcast_in_dim3A_104 = vector.broadcast %broadcast_in_dim3A_103 : f32 to vector<16xf32>
      %swap3A_105 = arith.index_cast %scan3A_55 : i32 to index
      %swap3A_106 = arith.constant 112 : index
      %swap3A_107 = tpu.vector_load %arg10[%swap3A_105, %swap3A_106] {strides = array<i32>} : memref<128x128xf32, #tpu.memory_space<vmem>>, vector<1x16xf32>,
      %swap3A_108 = vector.shape_cast %swap3A_107 : vector<1x16xf32> to vector<16xf32>
      %swap3A_109 = vector.shape_cast %broadcast_in_dim3A_104 : vector<16xf32> to vector<1x16xf32>
      tpu.vector_store %arg10[%swap3A_105, %swap3A_106], %swap3A_109 {strides = array<i32>} : memref<128x128xf32, #tpu.memory_space<vmem>>, vector<1x16xf32>,
    }
    %scan3A_4 = arith.constant 128 : i32
    %mul3A = arith.constant 640 : i32
    %mul3A_5 = arith.muli %arg1, %mul3A : i32
    %add3A = arith.constant 0 : i32
    %add3A_6 = arith.addi %mul3A_5, %add3A : i32
    "tpu.region"() ({
      %run_scoped3A = tpu.sem_alloc : memref<!tpu.dma_semaphore, #tpu.memory_space<semaphore_mem>>
      %dma_start3A = arith.constant 0 : i32
      %dma_start3A_55 = tpu.memref_slice %arg6[%add3A_6, %dma_start3A] : memref<10240x128xf32, #tpu.memory_space<vmem_shared>> -> memref<128x128xf32, #tpu.memory_space<vmem_shared>>
      %dma_start3A_56 = arith.constant 0 : i32
      %dma_start3A_57 = tpu.memref_slice %arg6[%add3A_6, %dma_start3A_56] : memref<10240x128xf32, #tpu.memory_space<vmem_shared>> -> memref<128x128xf32, #tpu.memory_space<vmem_shared>>
      tpu.enqueue_dma source(%arg10 : memref<128x128xf32, #tpu.memory_space<vmem>>) target(%dma_start3A_57 : memref<128x128xf32, #tpu.memory_space<vmem_shared>>) target_semaphore(%run_scoped3A : memref<!tpu.dma_semaphore, #tpu.memory_space<semaphore_mem>>)
      %dma_wait3A = arith.constant 0 : i32
      %dma_wait3A_58 = tpu.memref_slice %arg6[%add3A_6, %dma_wait3A] : memref<10240x128xf32, #tpu.memory_space<vmem_shared>> -> memref<128x128xf32, #tpu.memory_space<vmem_shared>>
      %dma_wait3A_59 = arith.constant 0 : i32
      %dma_wait3A_60 = tpu.memref_slice %arg6[%add3A_6, %dma_wait3A_59] : memref<10240x128xf32, #tpu.memory_space<vmem_shared>> -> memref<128x128xf32, #tpu.memory_space<vmem_shared>>
      tpu.wait_dma2 semaphore(%run_scoped3A : memref<!tpu.dma_semaphore, #tpu.memory_space<semaphore_mem>>) src(%arg10 : memref<128x128xf32, #tpu.memory_space<vmem>>) dst(%dma_wait3A_60 : memref<128x128xf32, #tpu.memory_space<vmem_shared>>)
      tpu.yield
    }) : () -> ()
    %mul3A_7 = arith.constant 640 : i32
    %mul3A_8 = arith.muli %arg1, %mul3A_7 : i32
    %add3A_9 = arith.constant 128 : i32
    %add3A_10 = arith.addi %mul3A_8, %add3A_9 : i32
    "tpu.region"() ({
      %run_scoped3A = tpu.sem_alloc : memref<!tpu.dma_semaphore, #tpu.memory_space<semaphore_mem>>
      %dma_start3A = arith.constant 0 : i32
      %dma_start3A_55 = tpu.memref_slice %arg6[%add3A_10, %dma_start3A] : memref<10240x128xf32, #tpu.memory_space<vmem_shared>> -> memref<128x128xf32, #tpu.memory_space<vmem_shared>>
      %dma_start3A_56 = arith.constant 0 : i32
      %dma_start3A_57 = tpu.memref_slice %arg6[%add3A_10, %dma_start3A_56] : memref<10240x128xf32, #tpu.memory_space<vmem_shared>> -> memref<128x128xf32, #tpu.memory_space<vmem_shared>>
      tpu.enqueue_dma source(%arg10 : memref<128x128xf32, #tpu.memory_space<vmem>>) target(%dma_start3A_57 : memref<128x128xf32, #tpu.memory_space<vmem_shared>>) target_semaphore(%run_scoped3A : memref<!tpu.dma_semaphore, #tpu.memory_space<semaphore_mem>>)
      %dma_wait3A = arith.constant 0 : i32
      %dma_wait3A_58 = tpu.memref_slice %arg6[%add3A_10, %dma_wait3A] : memref<10240x128xf32, #tpu.memory_space<vmem_shared>> -> memref<128x128xf32, #tpu.memory_space<vmem_shared>>
      %dma_wait3A_59 = arith.constant 0 : i32
      %dma_wait3A_60 = tpu.memref_slice %arg6[%add3A_10, %dma_wait3A_59] : memref<10240x128xf32, #tpu.memory_space<vmem_shared>> -> memref<128x128xf32, #tpu.memory_space<vmem_shared>>
      tpu.wait_dma2 semaphore(%run_scoped3A : memref<!tpu.dma_semaphore, #tpu.memory_space<semaphore_mem>>) src(%arg10 : memref<128x128xf32, #tpu.memory_space<vmem>>) dst(%dma_wait3A_60 : memref<128x128xf32, #tpu.memory_space<vmem_shared>>)
      tpu.yield
    }) : () -> ()
    %mul3A_11 = arith.constant 640 : i32
    %mul3A_12 = arith.muli %arg1, %mul3A_11 : i32
    %add3A_13 = arith.constant 256 : i32
    %add3A_14 = arith.addi %mul3A_12, %add3A_13 : i32
    "tpu.region"() ({
      %run_scoped3A = tpu.sem_alloc : memref<!tpu.dma_semaphore, #tpu.memory_space<semaphore_mem>>
      %dma_start3A = arith.constant 0 : i32
      %dma_start3A_55 = tpu.memref_slice %arg6[%add3A_14, %dma_start3A] : memref<10240x128xf32, #tpu.memory_space<vmem_shared>> -> memref<128x128xf32, #tpu.memory_space<vmem_shared>>
      %dma_start3A_56 = arith.constant 0 : i32
      %dma_start3A_57 = tpu.memref_slice %arg6[%add3A_14, %dma_start3A_56] : memref<10240x128xf32, #tpu.memory_space<vmem_shared>> -> memref<128x128xf32, #tpu.memory_space<vmem_shared>>
      tpu.enqueue_dma source(%arg10 : memref<128x128xf32, #tpu.memory_space<vmem>>) target(%dma_start3A_57 : memref<128x128xf32, #tpu.memory_space<vmem_shared>>) target_semaphore(%run_scoped3A : memref<!tpu.dma_semaphore, #tpu.memory_space<semaphore_mem>>)
      %dma_wait3A = arith.constant 0 : i32
      %dma_wait3A_58 = tpu.memref_slice %arg6[%add3A_14, %dma_wait3A] : memref<10240x128xf32, #tpu.memory_space<vmem_shared>> -> memref<128x128xf32, #tpu.memory_space<vmem_shared>>
      %dma_wait3A_59 = arith.constant 0 : i32
      %dma_wait3A_60 = tpu.memref_slice %arg6[%add3A_14, %dma_wait3A_59] : memref<10240x128xf32, #tpu.memory_space<vmem_shared>> -> memref<128x128xf32, #tpu.memory_space<vmem_shared>>
      tpu.wait_dma2 semaphore(%run_scoped3A : memref<!tpu.dma_semaphore, #tpu.memory_space<semaphore_mem>>) src(%arg10 : memref<128x128xf32, #tpu.memory_space<vmem>>) dst(%dma_wait3A_60 : memref<128x128xf32, #tpu.memory_space<vmem_shared>>)
      tpu.yield
    }) : () -> ()
    %mul3A_15 = arith.constant 640 : i32
    %mul3A_16 = arith.muli %arg1, %mul3A_15 : i32
    %add3A_17 = arith.constant 384 : i32
    %add3A_18 = arith.addi %mul3A_16, %add3A_17 : i32
    "tpu.region"() ({
      %run_scoped3A = tpu.sem_alloc : memref<!tpu.dma_semaphore, #tpu.memory_space<semaphore_mem>>
      %dma_start3A = arith.constant 0 : i32
      %dma_start3A_55 = tpu.memref_slice %arg6[%add3A_18, %dma_start3A] : memref<10240x128xf32, #tpu.memory_space<vmem_shared>> -> memref<128x128xf32, #tpu.memory_space<vmem_shared>>
      %dma_start3A_56 = arith.constant 0 : i32
      %dma_start3A_57 = tpu.memref_slice %arg6[%add3A_18, %dma_start3A_56] : memref<10240x128xf32, #tpu.memory_space<vmem_shared>> -> memref<128x128xf32, #tpu.memory_space<vmem_shared>>
      tpu.enqueue_dma source(%arg10 : memref<128x128xf32, #tpu.memory_space<vmem>>) target(%dma_start3A_57 : memref<128x128xf32, #tpu.memory_space<vmem_shared>>) target_semaphore(%run_scoped3A : memref<!tpu.dma_semaphore, #tpu.memory_space<semaphore_mem>>)
      %dma_wait3A = arith.constant 0 : i32
      %dma_wait3A_58 = tpu.memref_slice %arg6[%add3A_18, %dma_wait3A] : memref<10240x128xf32, #tpu.memory_space<vmem_shared>> -> memref<128x128xf32, #tpu.memory_space<vmem_shared>>
      %dma_wait3A_59 = arith.constant 0 : i32
      %dma_wait3A_60 = tpu.memref_slice %arg6[%add3A_18, %dma_wait3A_59] : memref<10240x128xf32, #tpu.memory_space<vmem_shared>> -> memref<128x128xf32, #tpu.memory_space<vmem_shared>>
      tpu.wait_dma2 semaphore(%run_scoped3A : memref<!tpu.dma_semaphore, #tpu.memory_space<semaphore_mem>>) src(%arg10 : memref<128x128xf32, #tpu.memory_space<vmem>>) dst(%dma_wait3A_60 : memref<128x128xf32, #tpu.memory_space<vmem_shared>>)
      tpu.yield
    }) : () -> ()
    %mul3A_19 = arith.constant 640 : i32
    %mul3A_20 = arith.muli %arg1, %mul3A_19 : i32
    %add3A_21 = arith.constant 512 : i32
    %add3A_22 = arith.addi %mul3A_20, %add3A_21 : i32
    "tpu.region"() ({
      %run_scoped3A = tpu.sem_alloc : memref<!tpu.dma_semaphore, #tpu.memory_space<semaphore_mem>>
      %dma_start3A = arith.constant 0 : i32
      %dma_start3A_55 = tpu.memref_slice %arg6[%add3A_22, %dma_start3A] : memref<10240x128xf32, #tpu.memory_space<vmem_shared>> -> memref<128x128xf32, #tpu.memory_space<vmem_shared>>
      %dma_start3A_56 = arith.constant 0 : i32
      %dma_start3A_57 = tpu.memref_slice %arg6[%add3A_22, %dma_start3A_56] : memref<10240x128xf32, #tpu.memory_space<vmem_shared>> -> memref<128x128xf32, #tpu.memory_space<vmem_shared>>
      tpu.enqueue_dma source(%arg10 : memref<128x128xf32, #tpu.memory_space<vmem>>) target(%dma_start3A_57 : memref<128x128xf32, #tpu.memory_space<vmem_shared>>) target_semaphore(%run_scoped3A : memref<!tpu.dma_semaphore, #tpu.memory_space<semaphore_mem>>)
      %dma_wait3A = arith.constant 0 : i32
      %dma_wait3A_58 = tpu.memref_slice %arg6[%add3A_22, %dma_wait3A] : memref<10240x128xf32, #tpu.memory_space<vmem_shared>> -> memref<128x128xf32, #tpu.memory_space<vmem_shared>>
      %dma_wait3A_59 = arith.constant 0 : i32
      %dma_wait3A_60 = tpu.memref_slice %arg6[%add3A_22, %dma_wait3A_59] : memref<10240x128xf32, #tpu.memory_space<vmem_shared>> -> memref<128x128xf32, #tpu.memory_space<vmem_shared>>
      tpu.wait_dma2 semaphore(%run_scoped3A : memref<!tpu.dma_semaphore, #tpu.memory_space<semaphore_mem>>) src(%arg10 : memref<128x128xf32, #tpu.memory_space<vmem>>) dst(%dma_wait3A_60 : memref<128x128xf32, #tpu.memory_space<vmem_shared>>)
      tpu.yield
    }) : () -> ()
    %barrier3A = arith.constant 0 : index
    tpu.barrier barrier_id(%barrier3A)
    %mul3A_23 = arith.constant 160000 : i32
    %mul3A_24 = arith.muli %arg0, %mul3A_23 : i32
    %mul3A_25 = arith.constant 10000 : i32
    %mul3A_26 = arith.muli %arg1, %mul3A_25 : i32
    %add3A_27 = arith.addi %mul3A_24, %mul3A_26 : i32
    %scan3A_28 = arith.constant 0 : i32
    %scan3A_29 = arith.constant 0 : i32
    %scan3A_30 = arith.constant 125 : i32
    %scan3A_31 = arith.addi %scan3A_29, %scan3A_30 : i32
    %scan3A_32 = arith.constant 1 : i32
    scf.for %scan3A_55 = %scan3A_29 to %scan3A_31 step %scan3A_32  : i32 {
      %mul3A_56 = arith.constant 80 : i32
      %mul3A_57 = arith.muli %scan3A_55, %mul3A_56 : i32
      %add3A_58 = arith.addi %add3A_27, %mul3A_57 : i32
      "tpu.region"() ({
        %run_scoped3A = tpu.sem_alloc : memref<!tpu.dma_semaphore, #tpu.memory_space<semaphore_mem>>
        %dma_start3A_66 = tpu.memref_slice %arg3[%add3A_58] : memref<320000xi32, #tpu.memory_space<hbm>> -> memref<80xi32, #tpu.memory_space<hbm>>
        %dma_start3A_67 = tpu.memref_slice %arg3[%add3A_58] : memref<320000xi32, #tpu.memory_space<hbm>> -> memref<80xi32, #tpu.memory_space<hbm>>
        tpu.enqueue_dma source(%dma_start3A_67 : memref<80xi32, #tpu.memory_space<hbm>>) target(%arg7 : memref<80xi32, #tpu.memory_space<vmem>>) target_semaphore(%run_scoped3A : memref<!tpu.dma_semaphore, #tpu.memory_space<semaphore_mem>>)
        %dma_wait3A_68 = tpu.memref_slice %arg3[%add3A_58] : memref<320000xi32, #tpu.memory_space<hbm>> -> memref<80xi32, #tpu.memory_space<hbm>>
        %dma_wait3A_69 = tpu.memref_slice %arg3[%add3A_58] : memref<320000xi32, #tpu.memory_space<hbm>> -> memref<80xi32, #tpu.memory_space<hbm>>
        tpu.wait_dma2 semaphore(%run_scoped3A : memref<!tpu.dma_semaphore, #tpu.memory_space<semaphore_mem>>) src(%dma_wait3A_69 : memref<80xi32, #tpu.memory_space<hbm>>) dst(%arg7 : memref<80xi32, #tpu.memory_space<vmem>>)
        tpu.yield
      }) : () -> ()
      %mul3A_59 = arith.constant 80 : i32
      %mul3A_60 = arith.muli %scan3A_55, %mul3A_59 : i32
      %add3A_61 = arith.addi %add3A_27, %mul3A_60 : i32
      "tpu.region"() ({
        %run_scoped3A = tpu.sem_alloc : memref<!tpu.dma_semaphore, #tpu.memory_space<semaphore_mem>>
        %dma_start3A_66 = tpu.memref_slice %arg4[%add3A_61] : memref<320000xi32, #tpu.memory_space<hbm>> -> memref<80xi32, #tpu.memory_space<hbm>>
        %dma_start3A_67 = tpu.memref_slice %arg4[%add3A_61] : memref<320000xi32, #tpu.memory_space<hbm>> -> memref<80xi32, #tpu.memory_space<hbm>>
        tpu.enqueue_dma source(%dma_start3A_67 : memref<80xi32, #tpu.memory_space<hbm>>) target(%arg8 : memref<80xi32, #tpu.memory_space<vmem>>) target_semaphore(%run_scoped3A : memref<!tpu.dma_semaphore, #tpu.memory_space<semaphore_mem>>)
        %dma_wait3A_68 = tpu.memref_slice %arg4[%add3A_61] : memref<320000xi32, #tpu.memory_space<hbm>> -> memref<80xi32, #tpu.memory_space<hbm>>
        %dma_wait3A_69 = tpu.memref_slice %arg4[%add3A_61] : memref<320000xi32, #tpu.memory_space<hbm>> -> memref<80xi32, #tpu.memory_space<hbm>>
        tpu.wait_dma2 semaphore(%run_scoped3A : memref<!tpu.dma_semaphore, #tpu.memory_space<semaphore_mem>>) src(%dma_wait3A_69 : memref<80xi32, #tpu.memory_space<hbm>>) dst(%arg8 : memref<80xi32, #tpu.memory_space<vmem>>)
        tpu.yield
      }) : () -> ()
      %dma_start3A = arith.constant 0 : i32
      %dma_start3A_62 = arith.constant 0 : i32
      %dma_start3A_63 = tpu.memref_slice %arg2[%dma_start3A, %dma_start3A_62] : memref<10000x128xf32, #tpu.memory_space<hbm>> -> memref<10000x128xf32, #tpu.memory_space<hbm>>
      tpu.enqueue_indirect_dma source(%dma_start3A_63 : memref<10000x128xf32, #tpu.memory_space<hbm>>) target(%arg9 : memref<80x128xf32, #tpu.memory_space<vmem>>) offsets(%arg7 : memref<80xi32, #tpu.memory_space<vmem>>) semaphore(%arg11 : memref<!tpu.dma_semaphore, #tpu.memory_space<semaphore_mem>>)
      %dma_wait3A = arith.constant 0 : i32
      %dma_wait3A_64 = arith.constant 0 : i32
      %dma_wait3A_65 = tpu.memref_slice %arg2[%dma_wait3A, %dma_wait3A_64] : memref<10000x128xf32, #tpu.memory_space<hbm>> -> memref<10000x128xf32, #tpu.memory_space<hbm>>
      tpu.wait_indirect_dma semaphore(%arg11 : memref<!tpu.dma_semaphore, #tpu.memory_space<semaphore_mem>>) src(%dma_wait3A_65 : memref<10000x128xf32, #tpu.memory_space<hbm>>) dst(%arg9 : memref<80x128xf32, #tpu.memory_space<vmem>>)
      "tpu.region"() ({
        %run_scoped3A = tpu.sem_alloc : memref<!tpu.dma_semaphore, #tpu.memory_space<semaphore_mem>>
        %dma_start3A_66 = arith.constant 0 : i32
        %dma_start3A_67 = arith.constant 0 : i32
        %dma_start3A_68 = tpu.memref_slice %arg6[%dma_start3A_66, %dma_start3A_67] : memref<10240x128xf32, #tpu.memory_space<vmem_shared>> -> memref<10240x128xf32, #tpu.memory_space<vmem_shared>>
        tpu.enqueue_indirect_dma source(%arg9 : memref<80x128xf32, #tpu.memory_space<vmem>>) target(%dma_start3A_68 : memref<10240x128xf32, #tpu.memory_space<vmem_shared>>) offsets(%arg8 : memref<80xi32, #tpu.memory_space<vmem>>) semaphore(%run_scoped3A : memref<!tpu.dma_semaphore, #tpu.memory_space<semaphore_mem>>) {add = true}
        %dma_wait3A_69 = arith.constant 0 : i32
        %dma_wait3A_70 = arith.constant 0 : i32
        %dma_wait3A_71 = tpu.memref_slice %arg6[%dma_wait3A_69, %dma_wait3A_70] : memref<10240x128xf32, #tpu.memory_space<vmem_shared>> -> memref<10240x128xf32, #tpu.memory_space<vmem_shared>>
        tpu.wait_indirect_dma semaphore(%run_scoped3A : memref<!tpu.dma_semaphore, #tpu.memory_space<semaphore_mem>>) src(%arg9 : memref<80x128xf32, #tpu.memory_space<vmem>>) dst(%dma_wait3A_71 : memref<10240x128xf32, #tpu.memory_space<vmem_shared>>)
        tpu.yield
      }) : () -> ()
    }
    %scan3A_33 = arith.constant 125 : i32
    %barrier3A_34 = arith.constant 0 : index
    tpu.barrier barrier_id(%barrier3A_34)
    %mul3A_35 = arith.constant 640 : i32
    %mul3A_36 = arith.muli %arg1, %mul3A_35 : i32
    %add3A_37 = arith.constant 0 : i32
    %add3A_38 = arith.addi %mul3A_36, %add3A_37 : i32
    "tpu.region"() ({
      %run_scoped3A = tpu.sem_alloc : memref<!tpu.dma_semaphore, #tpu.memory_space<semaphore_mem>>
      %dma_start3A = arith.constant 0 : i32
      %dma_start3A_55 = tpu.memref_slice %arg5[%arg0, %add3A_38, %dma_start3A] : memref<2x10240x128xf32, #tpu.memory_space<hbm>> -> memref<1x128x128xf32, #tpu.memory_space<hbm>>
      %dma_start3A_56 = tpu.memref_squeeze %dma_start3A_55 : memref<1x128x128xf32, #tpu.memory_space<hbm>> -> memref<128x128xf32, #tpu.memory_space<hbm>>
      %dma_start3A_57 = arith.constant 0 : i32
      %dma_start3A_58 = tpu.memref_slice %arg6[%add3A_38, %dma_start3A_57] : memref<10240x128xf32, #tpu.memory_space<vmem_shared>> -> memref<128x128xf32, #tpu.memory_space<vmem_shared>>
      tpu.enqueue_dma source(%dma_start3A_58 : memref<128x128xf32, #tpu.memory_space<vmem_shared>>) target(%dma_start3A_56 : memref<128x128xf32, #tpu.memory_space<hbm>>) target_semaphore(%run_scoped3A : memref<!tpu.dma_semaphore, #tpu.memory_space<semaphore_mem>>)
      %dma_wait3A = arith.constant 0 : i32
      %dma_wait3A_59 = tpu.memref_slice %arg5[%arg0, %add3A_38, %dma_wait3A] : memref<2x10240x128xf32, #tpu.memory_space<hbm>> -> memref<1x128x128xf32, #tpu.memory_space<hbm>>
      %dma_wait3A_60 = tpu.memref_squeeze %dma_wait3A_59 : memref<1x128x128xf32, #tpu.memory_space<hbm>> -> memref<128x128xf32, #tpu.memory_space<hbm>>
      %dma_wait3A_61 = arith.constant 0 : i32
      %dma_wait3A_62 = tpu.memref_slice %arg6[%add3A_38, %dma_wait3A_61] : memref<10240x128xf32, #tpu.memory_space<vmem_shared>> -> memref<128x128xf32, #tpu.memory_space<vmem_shared>>
      tpu.wait_dma2 semaphore(%run_scoped3A : memref<!tpu.dma_semaphore, #tpu.memory_space<semaphore_mem>>) src(%dma_wait3A_62 : memref<128x128xf32, #tpu.memory_space<vmem_shared>>) dst(%dma_wait3A_60 : memref<128x128xf32, #tpu.memory_space<hbm>>)
      tpu.yield
    }) : () -> ()
    %mul3A_39 = arith.constant 640 : i32
    %mul3A_40 = arith.muli %arg1, %mul3A_39 : i32
    %add3A_41 = arith.constant 128 : i32
    %add3A_42 = arith.addi %mul3A_40, %add3A_41 : i32
    "tpu.region"() ({
      %run_scoped3A = tpu.sem_alloc : memref<!tpu.dma_semaphore, #tpu.memory_space<semaphore_mem>>
      %dma_start3A = arith.constant 0 : i32
      %dma_start3A_55 = tpu.memref_slice %arg5[%arg0, %add3A_42, %dma_start3A] : memref<2x10240x128xf32, #tpu.memory_space<hbm>> -> memref<1x128x128xf32, #tpu.memory_space<hbm>>
      %dma_start3A_56 = tpu.memref_squeeze %dma_start3A_55 : memref<1x128x128xf32, #tpu.memory_space<hbm>> -> memref<128x128xf32, #tpu.memory_space<hbm>>
      %dma_start3A_57 = arith.constant 0 : i32
      %dma_start3A_58 = tpu.memref_slice %arg6[%add3A_42, %dma_start3A_57] : memref<10240x128xf32, #tpu.memory_space<vmem_shared>> -> memref<128x128xf32, #tpu.memory_space<vmem_shared>>
      tpu.enqueue_dma source(%dma_start3A_58 : memref<128x128xf32, #tpu.memory_space<vmem_shared>>) target(%dma_start3A_56 : memref<128x128xf32, #tpu.memory_space<hbm>>) target_semaphore(%run_scoped3A : memref<!tpu.dma_semaphore, #tpu.memory_space<semaphore_mem>>)
      %dma_wait3A = arith.constant 0 : i32
      %dma_wait3A_59 = tpu.memref_slice %arg5[%arg0, %add3A_42, %dma_wait3A] : memref<2x10240x128xf32, #tpu.memory_space<hbm>> -> memref<1x128x128xf32, #tpu.memory_space<hbm>>
      %dma_wait3A_60 = tpu.memref_squeeze %dma_wait3A_59 : memref<1x128x128xf32, #tpu.memory_space<hbm>> -> memref<128x128xf32, #tpu.memory_space<hbm>>
      %dma_wait3A_61 = arith.constant 0 : i32
      %dma_wait3A_62 = tpu.memref_slice %arg6[%add3A_42, %dma_wait3A_61] : memref<10240x128xf32, #tpu.memory_space<vmem_shared>> -> memref<128x128xf32, #tpu.memory_space<vmem_shared>>
      tpu.wait_dma2 semaphore(%run_scoped3A : memref<!tpu.dma_semaphore, #tpu.memory_space<semaphore_mem>>) src(%dma_wait3A_62 : memref<128x128xf32, #tpu.memory_space<vmem_shared>>) dst(%dma_wait3A_60 : memref<128x128xf32, #tpu.memory_space<hbm>>)
      tpu.yield
    }) : () -> ()
    %mul3A_43 = arith.constant 640 : i32
    %mul3A_44 = arith.muli %arg1, %mul3A_43 : i32
    %add3A_45 = arith.constant 256 : i32
    %add3A_46 = arith.addi %mul3A_44, %add3A_45 : i32
    "tpu.region"() ({
      %run_scoped3A = tpu.sem_alloc : memref<!tpu.dma_semaphore, #tpu.memory_space<semaphore_mem>>
      %dma_start3A = arith.constant 0 : i32
      %dma_start3A_55 = tpu.memref_slice %arg5[%arg0, %add3A_46, %dma_start3A] : memref<2x10240x128xf32, #tpu.memory_space<hbm>> -> memref<1x128x128xf32, #tpu.memory_space<hbm>>
      %dma_start3A_56 = tpu.memref_squeeze %dma_start3A_55 : memref<1x128x128xf32, #tpu.memory_space<hbm>> -> memref<128x128xf32, #tpu.memory_space<hbm>>
      %dma_start3A_57 = arith.constant 0 : i32
      %dma_start3A_58 = tpu.memref_slice %arg6[%add3A_46, %dma_start3A_57] : memref<10240x128xf32, #tpu.memory_space<vmem_shared>> -> memref<128x128xf32, #tpu.memory_space<vmem_shared>>
      tpu.enqueue_dma source(%dma_start3A_58 : memref<128x128xf32, #tpu.memory_space<vmem_shared>>) target(%dma_start3A_56 : memref<128x128xf32, #tpu.memory_space<hbm>>) target_semaphore(%run_scoped3A : memref<!tpu.dma_semaphore, #tpu.memory_space<semaphore_mem>>)
      %dma_wait3A = arith.constant 0 : i32
      %dma_wait3A_59 = tpu.memref_slice %arg5[%arg0, %add3A_46, %dma_wait3A] : memref<2x10240x128xf32, #tpu.memory_space<hbm>> -> memref<1x128x128xf32, #tpu.memory_space<hbm>>
      %dma_wait3A_60 = tpu.memref_squeeze %dma_wait3A_59 : memref<1x128x128xf32, #tpu.memory_space<hbm>> -> memref<128x128xf32, #tpu.memory_space<hbm>>
      %dma_wait3A_61 = arith.constant 0 : i32
      %dma_wait3A_62 = tpu.memref_slice %arg6[%add3A_46, %dma_wait3A_61] : memref<10240x128xf32, #tpu.memory_space<vmem_shared>> -> memref<128x128xf32, #tpu.memory_space<vmem_shared>>
      tpu.wait_dma2 semaphore(%run_scoped3A : memref<!tpu.dma_semaphore, #tpu.memory_space<semaphore_mem>>) src(%dma_wait3A_62 : memref<128x128xf32, #tpu.memory_space<vmem_shared>>) dst(%dma_wait3A_60 : memref<128x128xf32, #tpu.memory_space<hbm>>)
      tpu.yield
    }) : () -> ()
    %mul3A_47 = arith.constant 640 : i32
    %mul3A_48 = arith.muli %arg1, %mul3A_47 : i32
    %add3A_49 = arith.constant 384 : i32
    %add3A_50 = arith.addi %mul3A_48, %add3A_49 : i32
    "tpu.region"() ({
      %run_scoped3A = tpu.sem_alloc : memref<!tpu.dma_semaphore, #tpu.memory_space<semaphore_mem>>
      %dma_start3A = arith.constant 0 : i32
      %dma_start3A_55 = tpu.memref_slice %arg5[%arg0, %add3A_50, %dma_start3A] : memref<2x10240x128xf32, #tpu.memory_space<hbm>> -> memref<1x128x128xf32, #tpu.memory_space<hbm>>
      %dma_start3A_56 = tpu.memref_squeeze %dma_start3A_55 : memref<1x128x128xf32, #tpu.memory_space<hbm>> -> memref<128x128xf32, #tpu.memory_space<hbm>>
      %dma_start3A_57 = arith.constant 0 : i32
      %dma_start3A_58 = tpu.memref_slice %arg6[%add3A_50, %dma_start3A_57] : memref<10240x128xf32, #tpu.memory_space<vmem_shared>> -> memref<128x128xf32, #tpu.memory_space<vmem_shared>>
      tpu.enqueue_dma source(%dma_start3A_58 : memref<128x128xf32, #tpu.memory_space<vmem_shared>>) target(%dma_start3A_56 : memref<128x128xf32, #tpu.memory_space<hbm>>) target_semaphore(%run_scoped3A : memref<!tpu.dma_semaphore, #tpu.memory_space<semaphore_mem>>)
      %dma_wait3A = arith.constant 0 : i32
      %dma_wait3A_59 = tpu.memref_slice %arg5[%arg0, %add3A_50, %dma_wait3A] : memref<2x10240x128xf32, #tpu.memory_space<hbm>> -> memref<1x128x128xf32, #tpu.memory_space<hbm>>
      %dma_wait3A_60 = tpu.memref_squeeze %dma_wait3A_59 : memref<1x128x128xf32, #tpu.memory_space<hbm>> -> memref<128x128xf32, #tpu.memory_space<hbm>>
      %dma_wait3A_61 = arith.constant 0 : i32
      %dma_wait3A_62 = tpu.memref_slice %arg6[%add3A_50, %dma_wait3A_61] : memref<10240x128xf32, #tpu.memory_space<vmem_shared>> -> memref<128x128xf32, #tpu.memory_space<vmem_shared>>
      tpu.wait_dma2 semaphore(%run_scoped3A : memref<!tpu.dma_semaphore, #tpu.memory_space<semaphore_mem>>) src(%dma_wait3A_62 : memref<128x128xf32, #tpu.memory_space<vmem_shared>>) dst(%dma_wait3A_60 : memref<128x128xf32, #tpu.memory_space<hbm>>)
      tpu.yield
    }) : () -> ()
    %mul3A_51 = arith.constant 640 : i32
    %mul3A_52 = arith.muli %arg1, %mul3A_51 : i32
    %add3A_53 = arith.constant 512 : i32
    %add3A_54 = arith.addi %mul3A_52, %add3A_53 : i32
    "tpu.region"() ({
      %run_scoped3A = tpu.sem_alloc : memref<!tpu.dma_semaphore, #tpu.memory_space<semaphore_mem>>
      %dma_start3A = arith.constant 0 : i32
      %dma_start3A_55 = tpu.memref_slice %arg5[%arg0, %add3A_54, %dma_start3A] : memref<2x10240x128xf32, #tpu.memory_space<hbm>> -> memref<1x128x128xf32, #tpu.memory_space<hbm>>
      %dma_start3A_56 = tpu.memref_squeeze %dma_start3A_55 : memref<1x128x128xf32, #tpu.memory_space<hbm>> -> memref<128x128xf32, #tpu.memory_space<hbm>>
      %dma_start3A_57 = arith.constant 0 : i32
      %dma_start3A_58 = tpu.memref_slice %arg6[%add3A_54, %dma_start3A_57] : memref<10240x128xf32, #tpu.memory_space<vmem_shared>> -> memref<128x128xf32, #tpu.memory_space<vmem_shared>>
      tpu.enqueue_dma source(%dma_start3A_58 : memref<128x128xf32, #tpu.memory_space<vmem_shared>>) target(%dma_start3A_56 : memref<128x128xf32, #tpu.memory_space<hbm>>) target_semaphore(%run_scoped3A : memref<!tpu.dma_semaphore, #tpu.memory_space<semaphore_mem>>)
      %dma_wait3A = arith.constant 0 : i32
      %dma_wait3A_59 = tpu.memref_slice %arg5[%arg0, %add3A_54, %dma_wait3A] : memref<2x10240x128xf32, #tpu.memory_space<hbm>> -> memref<1x128x128xf32, #tpu.memory_space<hbm>>
      %dma_wait3A_60 = tpu.memref_squeeze %dma_wait3A_59 : memref<1x128x128xf32, #tpu.memory_space<hbm>> -> memref<128x128xf32, #tpu.memory_space<hbm>>
      %dma_wait3A_61 = arith.constant 0 : i32
      %dma_wait3A_62 = tpu.memref_slice %arg6[%add3A_54, %dma_wait3A_61] : memref<10240x128xf32, #tpu.memory_space<vmem_shared>> -> memref<128x128xf32, #tpu.memory_space<vmem_shared>>
      tpu.wait_dma2 semaphore(%run_scoped3A : memref<!tpu.dma_semaphore, #tpu.memory_space<semaphore_mem>>) src(%dma_wait3A_62 : memref<128x128xf32, #tpu.memory_space<vmem_shared>>) dst(%dma_wait3A_60 : memref<128x128xf32, #tpu.memory_space<hbm>>)
      tpu.yield
    }) : () -> ()
    return
  }
}

module attributes {stable_mosaic.version = 14 : i64} {
  func.func @_mm1_body(%arg0: memref<10000x128xf32, #tpu.memory_space<vmem>>, %arg1: memref<128x128xf32, #tpu.memory_space<vmem>>, %arg2: memref<10000x1xf32, #tpu.memory_space<vmem>>, %arg3: memref<10000x1xf32, #tpu.memory_space<vmem>>, %arg4: memref<10000x128xf32, #tpu.memory_space<vmem>>, %arg5: memref<10000x1xf32, #tpu.memory_space<vmem>>) attributes {dimension_semantics = [], scalar_prefetch = 0 : i64, scratch_operands = 0 : i64, tpu.core_type = #tpu.core_type<tc>} {
    %get3A = arith.constant 0 : index
    %get3A_0 = arith.constant 0 : index
    %get3A_1 = vector.load %arg2[%get3A, %get3A_0] : memref<10000x1xf32, #tpu.memory_space<vmem>>, vector<10000x1xf32>
    %get3A_2 = arith.constant 0 : index
    %get3A_3 = arith.constant 0 : index
    %get3A_4 = vector.load %arg3[%get3A_2, %get3A_3] : memref<10000x1xf32, #tpu.memory_space<vmem>>, vector<10000x1xf32>
    %add3A = arith.addf %get3A_1, %get3A_4 : vector<10000x1xf32>
    %add3A_5 = arith.constant 1.000000e+00 : f32
    %add3A_6 = vector.broadcast %add3A_5 : f32 to vector<10000x1xf32>
    %add3A_7 = arith.addf %add3A, %add3A_6 : vector<10000x1xf32>
    %rsqrt3A = math.rsqrt %add3A_7 : vector<10000x1xf32>
    %get3A_8 = arith.constant 0 : index
    %get3A_9 = arith.constant 0 : index
    %get3A_10 = vector.load %arg0[%get3A_8, %get3A_9] : memref<10000x128xf32, #tpu.memory_space<vmem>>, vector<10000x128xf32>
    %get3A_11 = arith.constant 0 : index
    %get3A_12 = arith.constant 0 : index
    %get3A_13 = vector.load %arg1[%get3A_11, %get3A_12] : memref<128x128xf32, #tpu.memory_space<vmem>>, vector<128x128xf32>
    %dot_general3A = arith.constant dense<0.000000e+00> : vector<10000x128xf32>
    %dot_general3A_14 = tpu.matmul %get3A_10, %get3A_13, %dot_general3A {dimension_numbers = #tpu.dot_dimension_numbers<[1], [0], [0], [1], [0, 0, 1, 1], [], []>, transpose_lhs_hint = false} : vector<10000x128xf32>, vector<128x128xf32>, vector<10000x128xf32> -> vector<10000x128xf32>
    %mul3A = vector.broadcast %rsqrt3A : vector<10000x1xf32> to vector<10000x128xf32>
    %mul3A_15 = arith.mulf %dot_general3A_14, %mul3A : vector<10000x128xf32>
    %swap3A = arith.constant 0 : index
    %swap3A_16 = arith.constant 0 : index
    %swap3A_17 = vector.load %arg4[%swap3A, %swap3A_16] : memref<10000x128xf32, #tpu.memory_space<vmem>>, vector<10000x128xf32>
    tpu.vector_store %arg4[%swap3A, %swap3A_16], %mul3A_15 {strides = array<i32>} : memref<10000x128xf32, #tpu.memory_space<vmem>>, vector<10000x128xf32>,
    %swap3A_18 = arith.constant 0 : index
    %swap3A_19 = arith.constant 0 : index
    %swap3A_20 = vector.load %arg5[%swap3A_18, %swap3A_19] : memref<10000x1xf32, #tpu.memory_space<vmem>>, vector<10000x1xf32>
    tpu.vector_store %arg5[%swap3A_18, %swap3A_19], %rsqrt3A {strides = array<i32>} : memref<10000x1xf32, #tpu.memory_space<vmem>>, vector<10000x1xf32>,
    return
  }
}

module attributes {stable_mosaic.version = 14 : i64} {
  func.func @_mm2_body(%arg0: memref<10000x128xf32, #tpu.memory_space<vmem>>, %arg1: memref<10000x128xf32, #tpu.memory_space<vmem>>, %arg2: memref<10000x128xf32, #tpu.memory_space<vmem>>, %arg3: memref<10000x1xf32, #tpu.memory_space<vmem>>, %arg4: memref<1x128xf32, #tpu.memory_space<vmem>>, %arg5: memref<128x128xf32, #tpu.memory_space<vmem>>, %arg6: memref<10000x128xf32, #tpu.memory_space<vmem>>) attributes {dimension_semantics = [], scalar_prefetch = 0 : i64, scratch_operands = 0 : i64, tpu.core_type = #tpu.core_type<tc>} {
    %get3A = arith.constant 0 : index
    %get3A_0 = arith.constant 0 : index
    %get3A_1 = vector.load %arg3[%get3A, %get3A_0] : memref<10000x1xf32, #tpu.memory_space<vmem>>, vector<10000x1xf32>
    %get3A_2 = arith.constant 0 : index
    %get3A_3 = arith.constant 0 : index
    %get3A_4 = vector.load %arg0[%get3A_2, %get3A_3] : memref<10000x128xf32, #tpu.memory_space<vmem>>, vector<10000x128xf32>
    %get3A_5 = arith.constant 0 : index
    %get3A_6 = arith.constant 0 : index
    %get3A_7 = vector.load %arg1[%get3A_5, %get3A_6] : memref<10000x128xf32, #tpu.memory_space<vmem>>, vector<10000x128xf32>
    %add3A = arith.addf %get3A_4, %get3A_7 : vector<10000x128xf32>
    %get3A_8 = arith.constant 0 : index
    %get3A_9 = arith.constant 0 : index
    %get3A_10 = vector.load %arg2[%get3A_8, %get3A_9] : memref<10000x128xf32, #tpu.memory_space<vmem>>, vector<10000x128xf32>
    %add3A_11 = arith.addf %add3A, %get3A_10 : vector<10000x128xf32>
    %mul3A = vector.broadcast %get3A_1 : vector<10000x1xf32> to vector<10000x128xf32>
    %mul3A_12 = arith.mulf %add3A_11, %mul3A : vector<10000x128xf32>
    %get3A_13 = arith.constant 0 : index
    %get3A_14 = arith.constant 0 : index
    %get3A_15 = vector.load %arg4[%get3A_13, %get3A_14] : memref<1x128xf32, #tpu.memory_space<vmem>>, vector<1x128xf32>
    %add3A_16 = vector.broadcast %get3A_15 : vector<1x128xf32> to vector<10000x128xf32>
    %add3A_17 = arith.addf %mul3A_12, %add3A_16 : vector<10000x128xf32>
    %max3A = arith.constant 0.000000e+00 : f32
    %max3A_18 = vector.broadcast %max3A : f32 to vector<10000x128xf32>
    %max3A_19 = arith.maximumf %add3A_17, %max3A_18 : vector<10000x128xf32>
    %get3A_20 = arith.constant 0 : index
    %get3A_21 = arith.constant 0 : index
    %get3A_22 = vector.load %arg5[%get3A_20, %get3A_21] : memref<128x128xf32, #tpu.memory_space<vmem>>, vector<128x128xf32>
    %dot_general3A = arith.constant dense<0.000000e+00> : vector<10000x128xf32>
    %dot_general3A_23 = tpu.matmul %max3A_19, %get3A_22, %dot_general3A {dimension_numbers = #tpu.dot_dimension_numbers<[1], [0], [0], [1], [0, 0, 1, 1], [], []>, transpose_lhs_hint = false} : vector<10000x128xf32>, vector<128x128xf32>, vector<10000x128xf32> -> vector<10000x128xf32>
    %mul3A_24 = vector.broadcast %get3A_1 : vector<10000x1xf32> to vector<10000x128xf32>
    %mul3A_25 = arith.mulf %dot_general3A_23, %mul3A_24 : vector<10000x128xf32>
    %swap3A = arith.constant 0 : index
    %swap3A_26 = arith.constant 0 : index
    %swap3A_27 = vector.load %arg6[%swap3A, %swap3A_26] : memref<10000x128xf32, #tpu.memory_space<vmem>>, vector<10000x128xf32>
    tpu.vector_store %arg6[%swap3A, %swap3A_26], %mul3A_25 {strides = array<i32>} : memref<10000x128xf32, #tpu.memory_space<vmem>>, vector<10000x128xf32>,
    return
  }
}

module attributes {stable_mosaic.version = 14 : i64} {
  func.func @_fin_body(%arg0: memref<10000x128xf32, #tpu.memory_space<vmem>>, %arg1: memref<10000x128xf32, #tpu.memory_space<vmem>>, %arg2: memref<10000x128xf32, #tpu.memory_space<vmem>>, %arg3: memref<10000x1xf32, #tpu.memory_space<vmem>>, %arg4: memref<1x128xf32, #tpu.memory_space<vmem>>, %arg5: memref<10000x128xf32, #tpu.memory_space<vmem>>) attributes {dimension_semantics = [], scalar_prefetch = 0 : i64, scratch_operands = 0 : i64, tpu.core_type = #tpu.core_type<tc>} {
    %get3A = arith.constant 0 : index
    %get3A_0 = arith.constant 0 : index
    %get3A_1 = vector.load %arg0[%get3A, %get3A_0] : memref<10000x128xf32, #tpu.memory_space<vmem>>, vector<10000x128xf32>
    %get3A_2 = arith.constant 0 : index
    %get3A_3 = arith.constant 0 : index
    %get3A_4 = vector.load %arg1[%get3A_2, %get3A_3] : memref<10000x128xf32, #tpu.memory_space<vmem>>, vector<10000x128xf32>
    %add3A = arith.addf %get3A_1, %get3A_4 : vector<10000x128xf32>
    %get3A_5 = arith.constant 0 : index
    %get3A_6 = arith.constant 0 : index
    %get3A_7 = vector.load %arg2[%get3A_5, %get3A_6] : memref<10000x128xf32, #tpu.memory_space<vmem>>, vector<10000x128xf32>
    %add3A_8 = arith.addf %add3A, %get3A_7 : vector<10000x128xf32>
    %get3A_9 = arith.constant 0 : index
    %get3A_10 = arith.constant 0 : index
    %get3A_11 = vector.load %arg3[%get3A_9, %get3A_10] : memref<10000x1xf32, #tpu.memory_space<vmem>>, vector<10000x1xf32>
    %mul3A = vector.broadcast %get3A_11 : vector<10000x1xf32> to vector<10000x128xf32>
    %mul3A_12 = arith.mulf %add3A_8, %mul3A : vector<10000x128xf32>
    %get3A_13 = arith.constant 0 : index
    %get3A_14 = arith.constant 0 : index
    %get3A_15 = vector.load %arg4[%get3A_13, %get3A_14] : memref<1x128xf32, #tpu.memory_space<vmem>>, vector<1x128xf32>
    %add3A_16 = vector.broadcast %get3A_15 : vector<1x128xf32> to vector<10000x128xf32>
    %add3A_17 = arith.addf %mul3A_12, %add3A_16 : vector<10000x128xf32>
    %swap3A = arith.constant 0 : index
    %swap3A_18 = arith.constant 0 : index
    %swap3A_19 = vector.load %arg5[%swap3A, %swap3A_18] : memref<10000x128xf32, #tpu.memory_space<vmem>>, vector<10000x128xf32>
    tpu.vector_store %arg5[%swap3A, %swap3A_18], %add3A_17 {strides = array<i32>} : memref<10000x128xf32, #tpu.memory_space<vmem>>, vector<10000x128xf32>,
    return
  }
}

</mosaic_0001>

<sc_bundles>
// kernel: kernel.11.cloned.1.call-start
scs
__scs_entry_jumppad:
0x0: {  	(pc) =	sbr.rel $0x88, $3  }
0x1: {  	(tag) =	ssettag $0x0;
	lr =	simm.s32 $0x1  }
0x2: {  	[smem:$0x3F9B] =	sst lr;
	_ =	strace $0xD0000000  }
0x3: {  	_ = 	snop  }
0x4: {  	_ = 	snop  }
0x5: {  	_ = 	snop  }
0x6: {  	_ = 	snop  }
0x7: {  	_ = 	snop  }
__scs_overlays_trampoline_lowered:
0x8: {  	[smem:$0x3FAA] =	sst s0  }
0x9: {  	[smem:$0x3FAB] =	sst s1  }
0xa: {  	[smem:$0x3FAC] =	sst s2  }
0xb: {  	[smem:$0x3FAD] =	sst s3  }
0xc: {  	[smem:$0x3FAE] =	sst s4  }
0xd: {  	[smem:$0x3FAF] =	sst s5  }
0xe: {  	[smem:$0x3FB0] =	sst s6  }
0xf: {  	[smem:$0x3FB1] =	sst s7  }
0x10: {  	[smem:$0x3FB2] =	sst s8  }
0x11: {  	[smem:$0x3FB3] =	sst s9;
	s0 =	simm.s32 @!p0 $0x0  }
0x12: {  	s1 =	sld [smem:$0x3F99];
	s0 =	simm.s32 @p0 $0x1  }
0x13: {  	[smem:$0x3FB4] =	sst s0;
	s0 =	simm.s32 @!p1 $0x0  }
0x14: {  	s2 =	sld [smem:$0x3F98];
	s0 =	simm.s32 @p1 $0x1  }
0x15: {  	[smem:$0x3FB5] =	sst s0;
	s0 =	simm.s32 @!p2 $0x0  }
0x16: {  	s3 =	sld [smem:$0x3FDB];
	s0 =	simm.s32 @p2 $0x1  }
0x17: {  	s4 =	simm.s32 $0x1BF5;
	[smem:$0x3FB7] =	sst s0  }
0x18: {  	s0 =	sld [smem:$0x3F9A];
	_ =	swait.ge [sflag:s4], $0x0  }
0x19: {  	s7 =	sld [smem:$0x3F9B]  }
0x1a: {  	s8 =	sadd.s32 $0xFFFFE003, lr  }
0x1b: {  	s9 =	sadd.s32 $0xFFFFFEF7, lr;
	s5 =	simm.s32 $0xFFFFFFFF;
	p2 =	slt.u32 s8, $0xFFFFF086  }
0x1c: {  	p1 =	slt.u32 s9, $0xF7A;
	s5 =	simm.s32 @!p2 $0x0  }
0x1d: {  	s5 =	simm.s32 @p1 $0x1;
	p0 =	seq.s32 s7, s2  }
0x1e: {  	s7 =	smul.u32 @!p0 $0xF7A, s2;
	p2 =	seq.s32 @!p0 s5, $0x0  }
0x1f: {  	s9 =	smul.u32 $0xF7A, s1;
	s8 =	simm.s32 @!p0 $0x1BF5;
	p2 =	por !p2, p0  }
0x20: {  	[sflag:s8] =	ssyncset.s32 @!p0 $0xFFFFF086;
	s6 =	sadd.s32 @!p0 s3, s7;
	s7 =	simm.s32 @!p0 $0x108  }
0x21: {  	s3 =	sadd.s32 s3, s9;
	s6 =	sadd.s32 @!p0 $0x88, s6;
	s7 =	simm.s32 @p2 $0x1082  }
0x22: {  	[simem:s7], [sflag:s8] =	dma.local @!p0 [hbm:s6], $0xF7A  }
0x23: {  	s9 =	sor.u32 $0xD0000000, s2;
	s6 =	simm.s32 $0x108;
	_ =	swait.ge @!p0 [sflag:s8], $0x0  }
0x24: {  	s3 =	sadd.s32 $0x88, s3;
	s6 =	simm.s32 @!p1 $0x1082;
	[sflag:s4] =	ssyncset.s32 $0xFFFFF086  }
0x25: {  	[simem:s6], [sflag:s4] =	dma.local [hbm:s3], $0xF7A  }
0x26: {  	[smem:$0x3F9B] =	sst s1;
	(tag) =	ssettag s2;
	_ =	strace s9  }
0x27: {  	s1 =	sld [smem:$0x3FAB]  }
0x28: {  	s2 =	sld [smem:$0x3FAC]  }
0x29: {  	s4 =	sld [smem:$0x3FAE]  }
0x2a: {  	p0 =	seq.s32 s5, $0x0;
	s5 =	sld [smem:$0x3FAF]  }
0x2b: {  	s6 =	sld [smem:$0x3FB0]  }
0x2c: {  	s7 =	sld [smem:$0x3FB1]  }
0x2d: {  	s3 =	simm.s32 $0x108;
	s8 =	sld [smem:$0x3FB2]  }
0x2e: {  	s3 =	simm.s32 @!p0 $0x1082;
	s9 =	sld [smem:$0x3FB3]  }
0x2f: {  	lr =	sadd.s32 s0, s3;
	s0 =	sld [smem:$0x3FAA]  }
0x30: {  	s3 =	sld [smem:$0x3FAD]  }
0x31: {  	[smem:$0x3FB6] =	sst s10  }
0x32: {  	s10 =	sld [smem:$0x3FB4];
	_ =	sdelay $0x3  }
0x33: {  	p0 =	seq.s32 s10, $0x1;
	s10 =	sld [smem:$0x3FB6];
	_ =	sdelay $0x3  }
0x34: {  	[smem:$0x3FB6] =	sst s10  }
0x35: {  	s10 =	sld [smem:$0x3FB5];
	_ =	sdelay $0x3  }
0x36: {  	p1 =	seq.s32 s10, $0x1;
	s10 =	sld [smem:$0x3FB6];
	_ =	sdelay $0x3  }
0x37: {  	[smem:$0x3FB6] =	sst s10  }
0x38: {  	s10 =	sld [smem:$0x3FB7]  }
0x39: {  	_ = 	snop;
	(pc) =	sbr.ind lr, $3  }
0x3a: {  	_ = 	snop  }
0x3b: {  	_ = 	snop  }
0x3c: {  	p2 =	seq.s32 s10, $0x1;
	s10 =	sld [smem:$0x3FB6]  }
0x3d: {  	_ =	shalt  }
0x3e: {  	_ =	shalt  }
0x3f: {  	_ =	shalt  }
0x40: {  	_ =	shalt  }
0x41: {  	_ =	shalt  }
0x42: {  	_ =	shalt  }
0x43: {  	_ =	shalt  }
0x44: {  	_ =	shalt  }
0x45: {  	_ =	shalt  }
0x46: {  	_ =	shalt  }
0x47: {  	_ =	shalt  }
0x48: {  	_ =	shalt  }
0x49: {  	_ =	shalt  }
0x4a: {  	_ =	shalt  }
0x4b: {  	_ =	shalt  }
0x4c: {  	_ =	shalt  }
0x4d: {  	_ =	shalt  }
0x4e: {  	_ =	shalt  }
0x4f: {  	_ =	shalt  }
0x50: {  	_ =	shalt  }
0x51: {  	_ =	shalt  }
0x52: {  	_ =	shalt  }
0x53: {  	_ =	shalt  }
0x54: {  	_ =	shalt  }
0x55: {  	_ =	shalt  }
0x56: {  	_ =	shalt  }
0x57: {  	_ =	shalt  }
0x58: {  	_ =	shalt  }
0x59: {  	_ =	shalt  }
0x5a: {  	_ =	shalt  }
0x5b: {  	_ =	shalt  }
0x5c: {  	_ =	shalt  }
0x5d: {  	_ =	shalt  }
0x5e: {  	_ =	shalt  }
0x5f: {  	_ =	shalt  }
0x60: {  	_ =	shalt  }
0x61: {  	_ =	shalt  }
0x62: {  	_ =	shalt  }
0x63: {  	_ =	shalt  }
0x64: {  	_ =	shalt  }
0x65: {  	_ =	shalt  }
0x66: {  	_ =	shalt  }
0x67: {  	_ =	shalt  }
0x68: {  	_ =	shalt  }
0x69: {  	_ =	shalt  }
0x6a: {  	_ =	shalt  }
0x6b: {  	_ =	shalt  }
0x6c: {  	_ =	shalt  }
0x6d: {  	_ =	shalt  }
0x6e: {  	_ =	shalt  }
0x6f: {  	_ =	shalt  }
0x70: {  	_ =	shalt  }
0x71: {  	_ =	shalt  }
0x72: {  	_ =	shalt  }
0x73: {  	_ =	shalt  }
0x74: {  	_ =	shalt  }
0x75: {  	_ =	shalt  }
0x76: {  	_ =	shalt  }
0x77: {  	_ =	shalt  }
0x78: {  	_ =	shalt  }
0x79: {  	_ =	shalt  }
0x7a: {  	_ =	shalt  }
0x7b: {  	_ =	shalt  }
0x7c: {  	_ =	shalt  }
0x7d: {  	_ =	shalt  }
0x7e: {  	_ =	shalt  }
0x7f: {  	_ =	shalt  }
0x80: {  	_ =	shalt  }
0x81: {  	_ =	shalt  }
0x82: {  	_ =	shalt  }
0x83: {  	_ =	shalt  }
0x84: {  	_ =	shalt  }
0x85: {  	_ =	shalt  }
0x86: {  	_ =	shalt  }
0x87: {  	_ =	shalt  }
.Lfunc_end0:
.L_simem_size_0:
called_computation.1_lowered:
.L_overlay_start_0:
0x88: {  	s2 =	sld [smem:$0x3FD9]  }
0x89: {  	s3 =	sld [smem:$0x3FFE];
	_ =	sdelay $0x1  }
0x8a: {  	s1 =	srdreg.scid  }
0x8b: {  	s0 =	sand.u32 $0x1, s1  }
0x8c: {  	s17 =	sshll.u32 s0, $0xA;
	s2 =	sadd.s32 s3, s2  }
0x8d: {  	s2 =	sadd.s32 s2, s17  }
0x8e: {  	[smem:$0x3FC2] =	sst s2  }
0x8f: {  	_ = 	snop  }
0x90: {  	s2 =	sld [smem:$0x3FD0];
	(tm) =	ssettm $0x1  }
0x91: {  	s18 =	sld [smem:$0x3FFB];
	_ =	sdelay $0x3  }
0x92: {  	_ =	strace s18  }
0x93: {  	s3 =	sld [smem:$0x3FFC];
	_ =	sdelay $0x3  }
0x94: {  	_ =	strace s3  }
0x95: {  	s3 =	sld [smem:$0x3FFD];
	_ =	sdelay $0x3  }
0x96: {  	_ =	strace s3  }
0x97: {  	_ =	strace $0x8FFFFFFF  }
0x98: {  	s19 =	sld [smem:$0x3FDB];
	_ =	sdelay $0x1  }
0x99: {  	s4 =	simm.s32 $_scs_section_size  }
0x9a: {  	s5 =	simm.s32 $_size__tile_overlayer_lowered;
	s6 =	simm.s32 $_tile_overlayer_lowered  }
0x9b: {  	s22 =	simm.s32 $0x1BFF;
	s21 =	sshll.u32 s6, $0x1;
	s3 =	sadd.s32 s4, s19  }
0x9c: {  	s7 =	simm.s32 $0x0;
	s20 =	sshll.u32 s5, $0x1;
	s5 =	sadd.s32 s21, s3  }
0x9d: {  	[timem:s7], [sflag:s22] =	dma.local [hbm:s5], s20  }
0x9e: {  	_ =	swait.ge [sflag:s22], s20  }
0x9f: {  	s4 =	ssub.s32 $0x0, s20;
	[sflag:s22] =	ssyncset.done $0x0  }
0xa0: {  	[sflag:s22] =	ssyncadd.s32 s4;
	_ =	sdelay $0x1  }
0xa1: {  	s23 =	simm.s32 $0x1B8B  }
0xa2: {  	_ =	swait.ge [sflag:s23], $0x1  }
0xa3: {  	[sflag:s23] =	ssyncset.done $0x0  }
0xa4: {  	s25 =	simm.s32 $0x1B8E;
	s24 =	sld [smem:$0x3FFE];
	[sflag:s23] =	ssyncadd.s32 $0xFFFFFFFF  }
0xa5: {  	s26 =	simm.s32 $execute0_lowered;
	[smem:$0x3FD2] =	sst s25  }
0xa6: {  	s5 =	sshll.u32 s26, $0x1;
	_ =	strace $0x80000049;
	[dreg:$0x1] =	wrdreg $0xFFFFFFFF  }
0xa7: {  	s28 =	simm.s32 $_size_execute0_lowered;
	s3 =	sadd.s32 s3, s5;
	[dreg:$0x0] =	wrdreg $0x0  }
0xa8: {  	s5 =	sshll.u32 s28, $0x1;
	[dreg:$0x2] =	wrdreg s3  }
0xa9: {  	[dreg:$0x3] =	wrdreg s5  }
0xaa: {  	[dreg:$0x4] =	wrdreg $0xC0  }
0xab: {  	_ =	task [dreg:s7], $0x5FFFF  }
0xac: {  	[dreg:$0x1] =	wrdreg $0xFFFFFFFF  }
0xad: {  	[dreg:$0x0] =	wrdreg $0x60  }
0xae: {  	[dreg:$0x2] =	wrdreg s2  }
0xaf: {  	[dreg:$0x3] =	wrdreg s24  }
0xb0: {  	[dreg:$0x4] =	wrdreg $0x0  }
0xb1: {  	[dreg:$0x5] =	wrdreg $0x9  }
0xb2: {  	_ =	task.clear_ibuf [dreg:s7], $0x6FFFF;
	_ =	strace $0x90000049  }
0xb3: {  	s29 =	simm.s32 $0x9;
	_ =	strace $0x8000004B  }
0xb4: {  	_ =	swait.ge [sflag:s29], $0x1  }
0xb5: {  	[sflag:s29] =	ssyncadd.s32 $0xFFFFFFFF  }
0xb6: {  	_ =	strace $0x9000004B  }
0xb7: {  	_ =	sfence  }
0xb8: {  	s30 =	sld [smem:$0x0];
	_ =	sdelay $0x2  }
0xb9: {  	s31 =	sshll.u32 s1, $0xD;
	s1 =	sshrl.u32 s1, $0x2  }
0xba: {  	s3 =	sand.u32 $0x4000, s31;
	s1 =	sadd.s32 s1, s30  }
0xbb: {  	s0 =	sor.u32 s3, s0;
	s1 =	sshll.u32 s1, $0x11  }
0xbc: {  	s0 =	sor.u32 s1, s0  }
0xbd: {  	s0 =	sadd.s32 $0x8F2B, s0  }
0xbe: {  	[sflag:s0] =	ssyncadd.remote.s32 $0x1  }
0xbf: {  	_ =	sfence.sel $0xFFFF  }
0xc0: {  	[dreg:$0x0] =	wrdreg $0xFFFFFFFF;
	(pc) =	sbr.abs _section_cstart, $3  }
0xc1: {  	[dreg:$0x1] =	wrdreg $0xFFFFFFFF  }
0xc2: {  	_ =	task.clear_ibuf [dreg:s7], $0x2FFFF;
	_ =	strace $0x9FFFFFFF  }
0xc3: {  	(tm) =	ssettm $0x7FFFFFFF  }
tec
execute0_lowered:
.L_overlay_start_1:
0x0: {  	(tag) =	ssettag $0x1  }
0x1: {  	s0 =	rddreg [dreg:$0x0]  }
0x2: {  	s5 =	rddreg [dreg:$0x1]  }
0x3: {  	s1 =	srdreg.scid;
	s3 =	rddreg [dreg:$0x2]  }
0x4: {  	s2 =	stileid.u32;
	s4 =	simm.s32 $0x0;
	s19 =	simm.s32 $0x2  }
0x5: {  	s20 =	simm.s32 $0x14000;
	s21 =	simm.s32 $0x14080;
	s8 =	smul.u32 $0x2710, s2  }
0x6: {  	s22 =	simm.s32 $0x50;
	s23 =	simm.s32 $0x14100;
	s9 =	smul.u32 $0x50000, s2  }
0x7: {  	s6 =	sand.u32 $0x1, s1;
	s1 =	rddreg [dreg:$0x3];
	s10 =	smul.u32 $0x14000, s2  }
0x8: {  	[smem:$0x7FF] =	sst s4;
	s14 =	sadd.s32 $0x3E200, s5;
	s7 =	smul.u32 $0x27100, s6  }
0x9: {  	_ =	strace $0x8000004A;
	s24 =	ssub.s32 $0x2, s6;
	s12 =	smul.u32 $0x140000, s6  }
0xa: {  	s25 =	sshrl.u32 s24, $0x1;
	s26 =	sshrl.u32 s9, $0x2;
	s28 =	sadd.s32 $0x4000, s10  }
0xb: {  	s13 =	sadd.s32 $0x8000, s10;
	s16 =	sadd.s32 $0xC000, s10;
	s18 =	sadd.s32 $0x10000, s10  }
0xc: {  	s7 =	sadd.s32 s8, s7;
	s15 =	ssub.s32 s24, s25;
	s6 =	sadd.s32 s28, s3  }
0xd: {  	s8 =	sadd.s32 s16, s3;
	s11 =	sadd.s32 s10, s12;
	s30 =	sadd.s32 s12, s28  }
0xe: {  	s9 =	sadd.s32 s18, s3;
	s16 =	sadd.s32 s12, s16;
	s18 =	sadd.s32 s12, s18  }
0xf: {  	s24 =	simm.s32 $0x1;
	s25 =	simm.s32 $0x0;
	s7 =	sshrl.u32 s7, $0x3  }
0x10: {  	s29 =	sshrl.u32 s11, $0x3;
	s11 =	sshrl.u32 s30, $0x3;
	s16 =	sshrl.u32 s16, $0x3  }
0x11: {  	s31 =	sshrl.u32 s18, $0x3;
	s15 =	smax.u32 s15, $0x1;
	s18 =	simm.s32 $0x16900  }
0x12: {  	s17 =	sadd.s32 s7, s5;
	s7 =	sadd.s32 s13, s3;
	s13 =	sadd.s32 s12, s13  }
0x13: {  	s5 =	sadd.s32 s26, s3;
	s10 =	sadd.s32 s14, s29;
	s13 =	sshrl.u32 s13, $0x3  }
0x14: {  	s11 =	sadd.s32 s14, s11;
	s12 =	sadd.s32 s14, s13;
	s13 =	sadd.s32 s14, s16  }
0x15: {  	v0 =	vimm.f32 $0.0e+00;
	s14 =	sadd.s32 s14, s31;
	s16 =	sadd.s32 $0xD200, s17;
	s17 =	sadd.s32 $0x3400, s17  }
.LBB2_1:
0x16: {  	s26 =	simm.s32 $0x0;
	s28 =	simm.s32 $0x200  }
.LBB2_2:
0x17: {  	p0 =	sne.s32 s28, $0xFE00;
	[tilespmem:s26+$0x16970] =	vst v0  }
0x18: {  	[tilespmem:s26+$0x16900] =	vst v0  }
0x19: {  	[tilespmem:s26+$0x16910] =	vst v0  }
.Ltmp0:
0x1a: {  	[tilespmem:s26+$0x16920] =	vst v0;
	(pc) =	sbr.rel @p0 .LBB2_2-.Ltmp0, $4  }
0x1b: {  	[tilespmem:s26+$0x16930] =	vst v0  }
0x1c: {  	[tilespmem:s26+$0x16940] =	vst v0  }
0x1d: {  	[tilespmem:s26+$0x16950] =	vst v0  }
0x1e: {  	[tilespmem:s26+$0x16960] =	vst v0;
	s26 =	sshra.s32 s28, $0x2;
	s28 =	sadd.s32 $0x200, s28  }
0x1f: {  	[tilespmem:s26+$0x16970] =	vst v0  }
0x20: {  	[tilespmem:s26+$0x16900] =	vst v0  }
0x21: {  	[tilespmem:s26+$0x16910] =	vst v0  }
0x22: {  	[tilespmem:s26+$0x16920] =	vst v0  }
0x23: {  	[tilespmem:s26+$0x16930] =	vst v0  }
0x24: {  	[tilespmem:s26+$0x16940] =	vst v0  }
0x25: {  	[tilespmem:s26+$0x16950] =	vst v0  }
0x26: {  	[tilespmem:s26+$0x16960] =	vst v0  }
0x27: {  	[spmem:s5] =	stream.linear.scatter [tilespmem:s18], [sflag:$0x2], $0x4000, $0x38;
	[tilespmem:$0x1A900] =	vst v63  }
0x28: {  	_ =	swait.ge [sflag:s19], $0x4000  }
0x29: {  	[sflag:s19] =	ssyncset.done $0x0  }
0x2a: {  	[sflag:s19] =	ssyncadd.s32 $0xFFFFC000  }
0x2b: {  	[spmem:s6] =	stream.linear.scatter [tilespmem:s18], [sflag:$0x2], $0x4000, $0x38;
	[tilespmem:$0x1A900] =	vst v63  }
0x2c: {  	_ =	swait.ge [sflag:s19], $0x4000  }
0x2d: {  	[sflag:s19] =	ssyncset.done $0x0  }
0x2e: {  	[sflag:s19] =	ssyncadd.s32 $0xFFFFC000  }
0x2f: {  	[spmem:s7] =	stream.linear.scatter [tilespmem:s18], [sflag:$0x2], $0x4000, $0x38;
	[tilespmem:$0x1A900] =	vst v63  }
0x30: {  	_ =	swait.ge [sflag:s19], $0x4000  }
0x31: {  	[sflag:s19] =	ssyncset.done $0x0  }
0x32: {  	[sflag:s19] =	ssyncadd.s32 $0xFFFFC000  }
0x33: {  	[spmem:s8] =	stream.linear.scatter [tilespmem:s18], [sflag:$0x2], $0x4000, $0x38;
	[tilespmem:$0x1A900] =	vst v63  }
0x34: {  	_ =	swait.ge [sflag:s19], $0x4000  }
0x35: {  	[sflag:s19] =	ssyncset.done $0x0  }
0x36: {  	[sflag:s19] =	ssyncadd.s32 $0xFFFFC000  }
0x37: {  	[spmem:s9] =	stream.linear.scatter [tilespmem:s18], [sflag:$0x2], $0x4000, $0x38;
	[tilespmem:$0x1A900] =	vst v63  }
0x38: {  	_ =	swait.ge [sflag:s19], $0x4000  }
0x39: {  	[sflag:s19] =	ssyncset.done $0x0  }
0x3a: {  	[sflag:s19] =	ssyncadd.s32 $0xFFFFC000  }
0x3b: {  	s30 =	sadd.s32 $0x0, s17;
	[bflag:$0x0] =	sbarrier.arrive $0xFFFF  }
0x3c: {  	[tilespmem:s20], [sflag:$0x2] =	stream.linear.gather [hbm4b:s30+s4], $0x50, $0x38;
	[tilespmem:$0x1A900] =	vst v63  }
0x3d: {  	_ =	swait.ge [sflag:s19], $0x50  }
0x3e: {  	[sflag:s19] =	ssyncset.done $0x0  }
0x3f: {  	s31 =	sadd.s32 $0x0, s16;
	[sflag:s19] =	ssyncadd.s32 $0xFFFFFFB0  }
0x40: {  	[tilespmem:s21], [sflag:$0x2] =	stream.linear.gather [hbm4b:s31+s4], $0x50, $0x38;
	[tilespmem:$0x1A900] =	vst v63  }
0x41: {  	_ =	swait.ge [sflag:s19], $0x50  }
0x42: {  	[sflag:s19] =	ssyncset.done $0x0  }
0x43: {  	[sflag:s19] =	ssyncadd.s32 $0xFFFFFFB0  }
0x44: {  	[tilespmem:s23], [sflag:$0x1] =	stream.indirect.gather [hbm4b:s0+s22], $0x80, s20, s22, $0xb8;
	[tilespmem:$0x1A900] =	vst v63  }
0x45: {  	_ =	swait.ge [sflag:s24], $0x2800  }
0x46: {  	[sflag:s24] =	ssyncset.done $0x0  }
0x47: {  	[sflag:s24] =	ssyncadd.s32 $0xFFFFD800  }
0x48: {  	[spmem:s3] =	stream.indirect.scatter.add.f32 [tilespmem:s23], [sflag:$0x2], $0x80, s21, s22, $0xb8;
	[tilespmem:$0x1A900] =	vst v63  }
0x49: {  	_ =	swait.ge [sflag:s19], $0x2800  }
0x4a: {  	s26 =	simm.s32 $0xA;
	s28 =	simm.s32 $0x14;
	[sflag:s19] =	ssyncset.done $0x0  }
.LBB2_4:
0x4b: {  	s29 =	sadd.s32 s26, s17  }
0x4c: {  	[sflag:s19] =	ssyncadd.s32 $0xFFFFD800;
	s30 =	smov.u32 s28;
	s31 =	sadd.s32 $0xA, s28  }
0x4d: {  	[tilespmem:s20], [sflag:$0x2] =	stream.linear.gather [hbm4b:s29+s4], $0x50, $0x38;
	[tilespmem:$0x1A900] =	vst v63  }
0x4e: {  	p0 =	sne.s32 s28, $0x4D8;
	_ =	swait.ge [sflag:s19], $0x50  }
0x4f: {  	[sflag:s19] =	ssyncset.done $0x0  }
0x50: {  	s28 =	sadd.s32 s26, s16;
	s26 =	smov.u32 s30;
	[sflag:s19] =	ssyncadd.s32 $0xFFFFFFB0  }
0x51: {  	[tilespmem:s21], [sflag:$0x2] =	stream.linear.gather [hbm4b:s28+s4], $0x50, $0x38;
	[tilespmem:$0x1A900] =	vst v63  }
0x52: {  	_ =	swait.ge [sflag:s19], $0x50  }
0x53: {  	[sflag:s19] =	ssyncset.done $0x0  }
0x54: {  	[sflag:s19] =	ssyncadd.s32 $0xFFFFFFB0  }
0x55: {  	[tilespmem:s23], [sflag:$0x1] =	stream.indirect.gather [hbm4b:s0+s22], $0x80, s20, s22, $0xb8;
	[tilespmem:$0x1A900] =	vst v63  }
0x56: {  	_ =	swait.ge [sflag:s24], $0x2800  }
.Ltmp1:
0x57: {  	[sflag:s24] =	ssyncset.done $0x0;
	(pc) =	sbr.rel @p0 .LBB2_4-.Ltmp1, $4  }
0x58: {  	[sflag:s24] =	ssyncadd.s32 $0xFFFFD800  }
0x59: {  	[spmem:s3] =	stream.indirect.scatter.add.f32 [tilespmem:s23], [sflag:$0x2], $0x80, s21, s22, $0xb8;
	[tilespmem:$0x1A900] =	vst v63  }
0x5a: {  	_ =	swait.ge [sflag:s19], $0x2800  }
0x5b: {  	s28 =	smov.u32 s31;
	[sflag:s19] =	ssyncset.done $0x0  }
0x5c: {  	s28 =	sadd.s32 s26, s17;
	[sflag:s19] =	ssyncadd.s32 $0xFFFFD800  }
0x5d: {  	[tilespmem:s20], [sflag:$0x2] =	stream.linear.gather [hbm4b:s28+s4], $0x50, $0x38;
	[tilespmem:$0x1A900] =	vst v63  }
0x5e: {  	_ =	swait.ge [sflag:s19], $0x50  }
0x5f: {  	[sflag:s19] =	ssyncset.done $0x0  }
0x60: {  	s28 =	sadd.s32 s26, s16;
	[sflag:s19] =	ssyncadd.s32 $0xFFFFFFB0  }
0x61: {  	[tilespmem:s21], [sflag:$0x2] =	stream.linear.gather [hbm4b:s28+s4], $0x50, $0x38;
	[tilespmem:$0x1A900] =	vst v63  }
0x62: {  	_ =	swait.ge [sflag:s19], $0x50  }
0x63: {  	[sflag:s19] =	ssyncset.done $0x0  }
0x64: {  	[sflag:s19] =	ssyncadd.s32 $0xFFFFFFB0  }
0x65: {  	[tilespmem:s23], [sflag:$0x1] =	stream.indirect.gather [hbm4b:s0+s22], $0x80, s20, s22, $0xb8;
	[tilespmem:$0x1A900] =	vst v63  }
0x66: {  	_ =	swait.ge [sflag:s24], $0x2800  }
0x67: {  	[sflag:s24] =	ssyncset.done $0x0  }
0x68: {  	[sflag:s24] =	ssyncadd.s32 $0xFFFFD800  }
0x69: {  	[spmem:s3] =	stream.indirect.scatter.add.f32 [tilespmem:s23], [sflag:$0x2], $0x80, s21, s22, $0xb8;
	[tilespmem:$0x1A900] =	vst v63  }
0x6a: {  	_ =	swait.ge [sflag:s19], $0x2800  }
0x6b: {  	[sflag:s19] =	ssyncset.done $0x0  }
0x6c: {  	s29 =	sshll.u32 s2, $0x6;
	[sflag:s19] =	ssyncadd.s32 $0xFFFFD800  }
0x6d: {  	s30 =	sshrl.u32 s5, $0x3;
	s26 =	sor.u32 $0x1C02, s29;
	[bflag:$0x0] =	sbarrier.arrive $0xFFFF  }
0x6e: {  	[hbm:s10], [sflag:s26] =	dma.local [spmem:s30], $0x800  }
0x6f: {  	_ =	swait.ge [sflag:s19], $0x800  }
0x70: {  	[sflag:s19] =	ssyncset.done $0x0  }
0x71: {  	s31 =	sshrl.u32 s6, $0x3;
	[sflag:s19] =	ssyncadd.s32 $0xFFFFF800  }
0x72: {  	[hbm:s11], [sflag:s26] =	dma.local [spmem:s31], $0x800  }
0x73: {  	_ =	swait.ge [sflag:s19], $0x800  }
0x74: {  	[sflag:s19] =	ssyncset.done $0x0  }
0x75: {  	s29 =	sshrl.u32 s7, $0x3;
	[sflag:s19] =	ssyncadd.s32 $0xFFFFF800  }
0x76: {  	[hbm:s12], [sflag:s26] =	dma.local [spmem:s29], $0x800  }
0x77: {  	_ =	swait.ge [sflag:s19], $0x800  }
0x78: {  	[sflag:s19] =	ssyncset.done $0x0  }
0x79: {  	s30 =	sshrl.u32 s8, $0x3;
	[sflag:s19] =	ssyncadd.s32 $0xFFFFF800  }
0x7a: {  	[hbm:s13], [sflag:s26] =	dma.local [spmem:s30], $0x800  }
0x7b: {  	s25 =	sadd.s32 $0x1, s25;
	_ =	swait.ge [sflag:s19], $0x800  }
0x7c: {  	p0 =	sne.s32 s25, s15;
	[sflag:s19] =	ssyncset.done $0x0  }
.Ltmp2:
0x7d: {  	s31 =	sshrl.u32 s9, $0x3;
	[sflag:s19] =	ssyncadd.s32 $0xFFFFF800;
	(pc) =	sbr.rel @p0 .LBB2_1-.Ltmp2, $4  }
0x7e: {  	[hbm:s14], [sflag:s26] =	dma.local [spmem:s31], $0x800  }
0x7f: {  	_ =	swait.ge [sflag:s19], $0x800  }
0x80: {  	[sflag:s19] =	ssyncset.done $0x0  }
0x81: {  	[sflag:s19] =	ssyncadd.s32 $0xFFFFF800  }
0x82: {  	_ =	sfence.sel $0x180000  }
0x83: {  	[bflag:$0x0] =	sbarrier.arrive $0xFFFF  }
0x84: {  	p0 =	sne.s32 s2, $0x0;
	_ =	strace $0x9000004A  }
0x85: {  	s0 =	sadd.s32 @!p0 $0x100000, s1;
	[bflag:$0x2] =	sbarrier.arrive $0xFFFF  }
0x86: {  	[sflag:s0] =	ssyncadd.tile.s32 @!p0 $0x1;
	_ =	shalt  }
.Lfunc_end2:
_tile_overlayer_lowered:
.L_overlay_start_2:
0x87: {  	(tag) =	ssettag $0x2  }
0x88: {  	s0 =	rddreg [dreg:$0x0];
	s2 =	stileid.u32  }
0x89: {  	s1 =	rddreg [dreg:$0x1];
	p0 =	sne.s32 s2, $0x0  }
0x8a: {  	s3 =	rddreg [dreg:$0x2];
	[bflag:$0x3] =	sbarrier.arrive $0xFFFF;
	s2 =	simm.s32 @!p0 $0x1C02  }
0x8b: {  	[timem:s3], [sflag:s2] =	dma.local @!p0 [hbm:s0], s1  }
0x8c: {  	s0 =	simm.s32 @!p0 $0x2  }
0x8d: {  	_ =	swait.ge @!p0 [sflag:s0], s1  }
0x8e: {  	s1 =	ssub.s32 @!p0 $0x0, s1;
	[sflag:s0] =	ssyncset.done @!p0 $0x0  }
0x8f: {  	[sflag:s0] =	ssyncadd.s32 @!p0 s1  }
0x90: {  	[bflag:$0x3] =	sbarrier.arrive $0xFFFF  }
0x91: {  	_ =	shalt  }

// kernel: kernel.14.cloned.1.call-start
scs
__scs_entry_jumppad:
0x0: {  	(pc) =	sbr.rel $0x88, $3  }
0x1: {  	(tag) =	ssettag $0x0;
	lr =	simm.s32 $0x1  }
0x2: {  	[smem:$0x3F9B] =	sst lr;
	_ =	strace $0xD0000000  }
0x3: {  	_ = 	snop  }
0x4: {  	_ = 	snop  }
0x5: {  	_ = 	snop  }
0x6: {  	_ = 	snop  }
0x7: {  	_ = 	snop  }
__scs_overlays_trampoline_lowered:
0x8: {  	[smem:$0x3FAA] =	sst s0  }
0x9: {  	[smem:$0x3FAB] =	sst s1  }
0xa: {  	[smem:$0x3FAC] =	sst s2  }
0xb: {  	[smem:$0x3FAD] =	sst s3  }
0xc: {  	[smem:$0x3FAE] =	sst s4  }
0xd: {  	[smem:$0x3FAF] =	sst s5  }
0xe: {  	[smem:$0x3FB0] =	sst s6  }
0xf: {  	[smem:$0x3FB1] =	sst s7  }
0x10: {  	[smem:$0x3FB2] =	sst s8  }
0x11: {  	[smem:$0x3FB3] =	sst s9;
	s0 =	simm.s32 @!p0 $0x0  }
0x12: {  	s1 =	sld [smem:$0x3F99];
	s0 =	simm.s32 @p0 $0x1  }
0x13: {  	[smem:$0x3FB4] =	sst s0;
	s0 =	simm.s32 @!p1 $0x0  }
0x14: {  	s2 =	sld [smem:$0x3F98];
	s0 =	simm.s32 @p1 $0x1  }
0x15: {  	[smem:$0x3FB5] =	sst s0;
	s0 =	simm.s32 @!p2 $0x0  }
0x16: {  	s3 =	sld [smem:$0x3FDB];
	s0 =	simm.s32 @p2 $0x1  }
0x17: {  	s4 =	simm.s32 $0x1BF5;
	[smem:$0x3FB7] =	sst s0  }
0x18: {  	s0 =	sld [smem:$0x3F9A];
	_ =	swait.ge [sflag:s4], $0x0  }
0x19: {  	s7 =	sld [smem:$0x3F9B]  }
0x1a: {  	s8 =	sadd.s32 $0xFFFFE003, lr  }
0x1b: {  	s9 =	sadd.s32 $0xFFFFFEF7, lr;
	s5 =	simm.s32 $0xFFFFFFFF;
	p2 =	slt.u32 s8, $0xFFFFF086  }
0x1c: {  	p1 =	slt.u32 s9, $0xF7A;
	s5 =	simm.s32 @!p2 $0x0  }
0x1d: {  	s5 =	simm.s32 @p1 $0x1;
	p0 =	seq.s32 s7, s2  }
0x1e: {  	s7 =	smul.u32 @!p0 $0xF7A, s2;
	p2 =	seq.s32 @!p0 s5, $0x0  }
0x1f: {  	s9 =	smul.u32 $0xF7A, s1;
	s8 =	simm.s32 @!p0 $0x1BF5;
	p2 =	por !p2, p0  }
0x20: {  	[sflag:s8] =	ssyncset.s32 @!p0 $0xFFFFF086;
	s6 =	sadd.s32 @!p0 s3, s7;
	s7 =	simm.s32 @!p0 $0x108  }
0x21: {  	s3 =	sadd.s32 s3, s9;
	s6 =	sadd.s32 @!p0 $0x88, s6;
	s7 =	simm.s32 @p2 $0x1082  }
0x22: {  	[simem:s7], [sflag:s8] =	dma.local @!p0 [hbm:s6], $0xF7A  }
0x23: {  	s9 =	sor.u32 $0xD0000000, s2;
	s6 =	simm.s32 $0x108;
	_ =	swait.ge @!p0 [sflag:s8], $0x0  }
0x24: {  	s3 =	sadd.s32 $0x88, s3;
	s6 =	simm.s32 @!p1 $0x1082;
	[sflag:s4] =	ssyncset.s32 $0xFFFFF086  }
0x25: {  	[simem:s6], [sflag:s4] =	dma.local [hbm:s3], $0xF7A  }
0x26: {  	[smem:$0x3F9B] =	sst s1;
	(tag) =	ssettag s2;
	_ =	strace s9  }
0x27: {  	s1 =	sld [smem:$0x3FAB]  }
0x28: {  	s2 =	sld [smem:$0x3FAC]  }
0x29: {  	s4 =	sld [smem:$0x3FAE]  }
0x2a: {  	p0 =	seq.s32 s5, $0x0;
	s5 =	sld [smem:$0x3FAF]  }
0x2b: {  	s6 =	sld [smem:$0x3FB0]  }
0x2c: {  	s7 =	sld [smem:$0x3FB1]  }
0x2d: {  	s3 =	simm.s32 $0x108;
	s8 =	sld [smem:$0x3FB2]  }
0x2e: {  	s3 =	simm.s32 @!p0 $0x1082;
	s9 =	sld [smem:$0x3FB3]  }
0x2f: {  	lr =	sadd.s32 s0, s3;
	s0 =	sld [smem:$0x3FAA]  }
0x30: {  	s3 =	sld [smem:$0x3FAD]  }
0x31: {  	[smem:$0x3FB6] =	sst s10  }
0x32: {  	s10 =	sld [smem:$0x3FB4];
	_ =	sdelay $0x3  }
0x33: {  	p0 =	seq.s32 s10, $0x1;
	s10 =	sld [smem:$0x3FB6];
	_ =	sdelay $0x3  }
0x34: {  	[smem:$0x3FB6] =	sst s10  }
0x35: {  	s10 =	sld [smem:$0x3FB5];
	_ =	sdelay $0x3  }
0x36: {  	p1 =	seq.s32 s10, $0x1;
	s10 =	sld [smem:$0x3FB6];
	_ =	sdelay $0x3  }
0x37: {  	[smem:$0x3FB6] =	sst s10  }
0x38: {  	s10 =	sld [smem:$0x3FB7]  }
0x39: {  	_ = 	snop;
	(pc) =	sbr.ind lr, $3  }
0x3a: {  	_ = 	snop  }
0x3b: {  	_ = 	snop  }
0x3c: {  	p2 =	seq.s32 s10, $0x1;
	s10 =	sld [smem:$0x3FB6]  }
0x3d: {  	_ =	shalt  }
0x3e: {  	_ =	shalt  }
0x3f: {  	_ =	shalt  }
0x40: {  	_ =	shalt  }
0x41: {  	_ =	shalt  }
0x42: {  	_ =	shalt  }
0x43: {  	_ =	shalt  }
0x44: {  	_ =	shalt  }
0x45: {  	_ =	shalt  }
0x46: {  	_ =	shalt  }
0x47: {  	_ =	shalt  }
0x48: {  	_ =	shalt  }
0x49: {  	_ =	shalt  }
0x4a: {  	_ =	shalt  }
0x4b: {  	_ =	shalt  }
0x4c: {  	_ =	shalt  }
0x4d: {  	_ =	shalt  }
0x4e: {  	_ =	shalt  }
0x4f: {  	_ =	shalt  }
0x50: {  	_ =	shalt  }
0x51: {  	_ =	shalt  }
0x52: {  	_ =	shalt  }
0x53: {  	_ =	shalt  }
0x54: {  	_ =	shalt  }
0x55: {  	_ =	shalt  }
0x56: {  	_ =	shalt  }
0x57: {  	_ =	shalt  }
0x58: {  	_ =	shalt  }
0x59: {  	_ =	shalt  }
0x5a: {  	_ =	shalt  }
0x5b: {  	_ =	shalt  }
0x5c: {  	_ =	shalt  }
0x5d: {  	_ =	shalt  }
0x5e: {  	_ =	shalt  }
0x5f: {  	_ =	shalt  }
0x60: {  	_ =	shalt  }
0x61: {  	_ =	shalt  }
0x62: {  	_ =	shalt  }
0x63: {  	_ =	shalt  }
0x64: {  	_ =	shalt  }
0x65: {  	_ =	shalt  }
0x66: {  	_ =	shalt  }
0x67: {  	_ =	shalt  }
0x68: {  	_ =	shalt  }
0x69: {  	_ =	shalt  }
0x6a: {  	_ =	shalt  }
0x6b: {  	_ =	shalt  }
0x6c: {  	_ =	shalt  }
0x6d: {  	_ =	shalt  }
0x6e: {  	_ =	shalt  }
0x6f: {  	_ =	shalt  }
0x70: {  	_ =	shalt  }
0x71: {  	_ =	shalt  }
0x72: {  	_ =	shalt  }
0x73: {  	_ =	shalt  }
0x74: {  	_ =	shalt  }
0x75: {  	_ =	shalt  }
0x76: {  	_ =	shalt  }
0x77: {  	_ =	shalt  }
0x78: {  	_ =	shalt  }
0x79: {  	_ =	shalt  }
0x7a: {  	_ =	shalt  }
0x7b: {  	_ =	shalt  }
0x7c: {  	_ =	shalt  }
0x7d: {  	_ =	shalt  }
0x7e: {  	_ =	shalt  }
0x7f: {  	_ =	shalt  }
0x80: {  	_ =	shalt  }
0x81: {  	_ =	shalt  }
0x82: {  	_ =	shalt  }
0x83: {  	_ =	shalt  }
0x84: {  	_ =	shalt  }
0x85: {  	_ =	shalt  }
0x86: {  	_ =	shalt  }
0x87: {  	_ =	shalt  }
.Lfunc_end0:
.L_simem_size_0:
called_computation.2_lowered:
.L_overlay_start_0:
0x88: {  	s2 =	sld [smem:$0x3FD9]  }
0x89: {  	s3 =	sld [smem:$0x3FFE];
	_ =	sdelay $0x1  }
0x8a: {  	s1 =	srdreg.scid  }
0x8b: {  	s0 =	sand.u32 $0x1, s1  }
0x8c: {  	s17 =	sshll.u32 s0, $0xA;
	s2 =	sadd.s32 s3, s2  }
0x8d: {  	s2 =	sadd.s32 s2, s17  }
0x8e: {  	[smem:$0x3FC2] =	sst s2  }
0x8f: {  	_ = 	snop  }
0x90: {  	s2 =	sld [smem:$0x3FD0];
	(tm) =	ssettm $0x1  }
0x91: {  	s18 =	sld [smem:$0x3FFB];
	_ =	sdelay $0x3  }
0x92: {  	_ =	strace s18  }
0x93: {  	s3 =	sld [smem:$0x3FFC];
	_ =	sdelay $0x3  }
0x94: {  	_ =	strace s3  }
0x95: {  	s3 =	sld [smem:$0x3FFD];
	_ =	sdelay $0x3  }
0x96: {  	_ =	strace s3  }
0x97: {  	_ =	strace $0x8FFFFFFF  }
0x98: {  	s19 =	sld [smem:$0x3FDB];
	_ =	sdelay $0x1  }
0x99: {  	s4 =	simm.s32 $_scs_section_size  }
0x9a: {  	s5 =	simm.s32 $_size__tile_overlayer_lowered;
	s6 =	simm.s32 $_tile_overlayer_lowered  }
0x9b: {  	s22 =	simm.s32 $0x1BFF;
	s21 =	sshll.u32 s6, $0x1;
	s3 =	sadd.s32 s4, s19  }
0x9c: {  	s7 =	simm.s32 $0x0;
	s20 =	sshll.u32 s5, $0x1;
	s5 =	sadd.s32 s21, s3  }
0x9d: {  	[timem:s7], [sflag:s22] =	dma.local [hbm:s5], s20  }
0x9e: {  	_ =	swait.ge [sflag:s22], s20  }
0x9f: {  	s4 =	ssub.s32 $0x0, s20;
	[sflag:s22] =	ssyncset.done $0x0  }
0xa0: {  	[sflag:s22] =	ssyncadd.s32 s4;
	_ =	sdelay $0x1  }
0xa1: {  	s23 =	simm.s32 $0x1B8B  }
0xa2: {  	_ =	swait.ge [sflag:s23], $0x1  }
0xa3: {  	[sflag:s23] =	ssyncset.done $0x0  }
0xa4: {  	s25 =	simm.s32 $0x1B8E;
	s24 =	sld [smem:$0x3FFE];
	[sflag:s23] =	ssyncadd.s32 $0xFFFFFFFF  }
0xa5: {  	s26 =	simm.s32 $execute0_lowered;
	[smem:$0x3FD2] =	sst s25  }
0xa6: {  	s5 =	sshll.u32 s26, $0x1;
	_ =	strace $0x8000004C;
	[dreg:$0x1] =	wrdreg $0xFFFFFFFF  }
0xa7: {  	s28 =	simm.s32 $_size_execute0_lowered;
	s3 =	sadd.s32 s3, s5;
	[dreg:$0x0] =	wrdreg $0x0  }
0xa8: {  	s5 =	sshll.u32 s28, $0x1;
	[dreg:$0x2] =	wrdreg s3  }
0xa9: {  	[dreg:$0x3] =	wrdreg s5  }
0xaa: {  	[dreg:$0x4] =	wrdreg $0xC0  }
0xab: {  	_ =	task [dreg:s7], $0x5FFFF  }
0xac: {  	[dreg:$0x1] =	wrdreg $0xFFFFFFFF  }
0xad: {  	[dreg:$0x0] =	wrdreg $0x60  }
0xae: {  	[dreg:$0x2] =	wrdreg s2  }
0xaf: {  	[dreg:$0x3] =	wrdreg s24  }
0xb0: {  	[dreg:$0x4] =	wrdreg $0x0  }
0xb1: {  	[dreg:$0x5] =	wrdreg $0x9  }
0xb2: {  	_ =	task.clear_ibuf [dreg:s7], $0x6FFFF;
	_ =	strace $0x9000004C  }
0xb3: {  	s29 =	simm.s32 $0x9;
	_ =	strace $0x8000004E  }
0xb4: {  	_ =	swait.ge [sflag:s29], $0x1  }
0xb5: {  	[sflag:s29] =	ssyncadd.s32 $0xFFFFFFFF  }
0xb6: {  	_ =	strace $0x9000004E  }
0xb7: {  	_ =	sfence  }
0xb8: {  	s30 =	sld [smem:$0x0];
	_ =	sdelay $0x2  }
0xb9: {  	s31 =	sshll.u32 s1, $0xD;
	s1 =	sshrl.u32 s1, $0x2  }
0xba: {  	s3 =	sand.u32 $0x4000, s31;
	s1 =	sadd.s32 s1, s30  }
0xbb: {  	s0 =	sor.u32 s3, s0;
	s1 =	sshll.u32 s1, $0x11  }
0xbc: {  	s0 =	sor.u32 s1, s0  }
0xbd: {  	s0 =	sadd.s32 $0x8F2B, s0  }
0xbe: {  	[sflag:s0] =	ssyncadd.remote.s32 $0x1  }
0xbf: {  	_ =	sfence.sel $0xFFFF  }
0xc0: {  	[dreg:$0x0] =	wrdreg $0xFFFFFFFF;
	(pc) =	sbr.abs _section_cstart, $3  }
0xc1: {  	[dreg:$0x1] =	wrdreg $0xFFFFFFFF  }
0xc2: {  	_ =	task.clear_ibuf [dreg:s7], $0x2FFFF;
	_ =	strace $0x9FFFFFFF  }
0xc3: {  	(tm) =	ssettm $0x7FFFFFFF  }
tec
execute0_lowered:
.L_overlay_start_1:
0x0: {  	(tag) =	ssettag $0x1  }
0x1: {  	s0 =	rddreg [dreg:$0x0]  }
0x2: {  	s5 =	rddreg [dreg:$0x1]  }
0x3: {  	s1 =	srdreg.scid;
	s3 =	rddreg [dreg:$0x2]  }
0x4: {  	s2 =	stileid.u32;
	s4 =	simm.s32 $0x0;
	s19 =	simm.s32 $0x2  }
0x5: {  	s20 =	simm.s32 $0x14000;
	s21 =	simm.s32 $0x14080;
	s8 =	smul.u32 $0x2710, s2  }
0x6: {  	s22 =	simm.s32 $0x50;
	s23 =	simm.s32 $0x14100;
	s9 =	smul.u32 $0x50000, s2  }
0x7: {  	s6 =	sand.u32 $0x1, s1;
	s1 =	rddreg [dreg:$0x3];
	s10 =	smul.u32 $0x14000, s2  }
0x8: {  	[smem:$0x7FF] =	sst s4;
	s14 =	sadd.s32 $0x3E200, s5;
	s7 =	smul.u32 $0x27100, s6  }
0x9: {  	_ =	strace $0x8000004D;
	s24 =	ssub.s32 $0x2, s6;
	s12 =	smul.u32 $0x140000, s6  }
0xa: {  	s25 =	sshrl.u32 s24, $0x1;
	s26 =	sshrl.u32 s9, $0x2;
	s28 =	sadd.s32 $0x4000, s10  }
0xb: {  	s13 =	sadd.s32 $0x8000, s10;
	s16 =	sadd.s32 $0xC000, s10;
	s18 =	sadd.s32 $0x10000, s10  }
0xc: {  	s7 =	sadd.s32 s8, s7;
	s15 =	ssub.s32 s24, s25;
	s6 =	sadd.s32 s28, s3  }
0xd: {  	s8 =	sadd.s32 s16, s3;
	s11 =	sadd.s32 s10, s12;
	s30 =	sadd.s32 s12, s28  }
0xe: {  	s9 =	sadd.s32 s18, s3;
	s16 =	sadd.s32 s12, s16;
	s18 =	sadd.s32 s12, s18  }
0xf: {  	s24 =	simm.s32 $0x1;
	s25 =	simm.s32 $0x0;
	s7 =	sshrl.u32 s7, $0x3  }
0x10: {  	s29 =	sshrl.u32 s11, $0x3;
	s11 =	sshrl.u32 s30, $0x3;
	s16 =	sshrl.u32 s16, $0x3  }
0x11: {  	s31 =	sshrl.u32 s18, $0x3;
	s15 =	smax.u32 s15, $0x1;
	s18 =	simm.s32 $0x16900  }
0x12: {  	s17 =	sadd.s32 s7, s5;
	s7 =	sadd.s32 s13, s3;
	s13 =	sadd.s32 s12, s13  }
0x13: {  	s5 =	sadd.s32 s26, s3;
	s10 =	sadd.s32 s14, s29;
	s13 =	sshrl.u32 s13, $0x3  }
0x14: {  	s11 =	sadd.s32 s14, s11;
	s12 =	sadd.s32 s14, s13;
	s13 =	sadd.s32 s14, s16  }
0x15: {  	v0 =	vimm.f32 $0.0e+00;
	s14 =	sadd.s32 s14, s31;
	s16 =	sadd.s32 $0xD200, s17;
	s17 =	sadd.s32 $0x3400, s17  }
.LBB2_1:
0x16: {  	s26 =	simm.s32 $0x0;
	s28 =	simm.s32 $0x200  }
.LBB2_2:
0x17: {  	p0 =	sne.s32 s28, $0xFE00;
	[tilespmem:s26+$0x16970] =	vst v0  }
0x18: {  	[tilespmem:s26+$0x16900] =	vst v0  }
0x19: {  	[tilespmem:s26+$0x16910] =	vst v0  }
.Ltmp0:
0x1a: {  	[tilespmem:s26+$0x16920] =	vst v0;
	(pc) =	sbr.rel @p0 .LBB2_2-.Ltmp0, $4  }
0x1b: {  	[tilespmem:s26+$0x16930] =	vst v0  }
0x1c: {  	[tilespmem:s26+$0x16940] =	vst v0  }
0x1d: {  	[tilespmem:s26+$0x16950] =	vst v0  }
0x1e: {  	[tilespmem:s26+$0x16960] =	vst v0;
	s26 =	sshra.s32 s28, $0x2;
	s28 =	sadd.s32 $0x200, s28  }
0x1f: {  	[tilespmem:s26+$0x16970] =	vst v0  }
0x20: {  	[tilespmem:s26+$0x16900] =	vst v0  }
0x21: {  	[tilespmem:s26+$0x16910] =	vst v0  }
0x22: {  	[tilespmem:s26+$0x16920] =	vst v0  }
0x23: {  	[tilespmem:s26+$0x16930] =	vst v0  }
0x24: {  	[tilespmem:s26+$0x16940] =	vst v0  }
0x25: {  	[tilespmem:s26+$0x16950] =	vst v0  }
0x26: {  	[tilespmem:s26+$0x16960] =	vst v0  }
0x27: {  	[spmem:s5] =	stream.linear.scatter [tilespmem:s18], [sflag:$0x2], $0x4000, $0x38;
	[tilespmem:$0x1A900] =	vst v63  }
0x28: {  	_ =	swait.ge [sflag:s19], $0x4000  }
0x29: {  	[sflag:s19] =	ssyncset.done $0x0  }
0x2a: {  	[sflag:s19] =	ssyncadd.s32 $0xFFFFC000  }
0x2b: {  	[spmem:s6] =	stream.linear.scatter [tilespmem:s18], [sflag:$0x2], $0x4000, $0x38;
	[tilespmem:$0x1A900] =	vst v63  }
0x2c: {  	_ =	swait.ge [sflag:s19], $0x4000  }
0x2d: {  	[sflag:s19] =	ssyncset.done $0x0  }
0x2e: {  	[sflag:s19] =	ssyncadd.s32 $0xFFFFC000  }
0x2f: {  	[spmem:s7] =	stream.linear.scatter [tilespmem:s18], [sflag:$0x2], $0x4000, $0x38;
	[tilespmem:$0x1A900] =	vst v63  }
0x30: {  	_ =	swait.ge [sflag:s19], $0x4000  }
0x31: {  	[sflag:s19] =	ssyncset.done $0x0  }
0x32: {  	[sflag:s19] =	ssyncadd.s32 $0xFFFFC000  }
0x33: {  	[spmem:s8] =	stream.linear.scatter [tilespmem:s18], [sflag:$0x2], $0x4000, $0x38;
	[tilespmem:$0x1A900] =	vst v63  }
0x34: {  	_ =	swait.ge [sflag:s19], $0x4000  }
0x35: {  	[sflag:s19] =	ssyncset.done $0x0  }
0x36: {  	[sflag:s19] =	ssyncadd.s32 $0xFFFFC000  }
0x37: {  	[spmem:s9] =	stream.linear.scatter [tilespmem:s18], [sflag:$0x2], $0x4000, $0x38;
	[tilespmem:$0x1A900] =	vst v63  }
0x38: {  	_ =	swait.ge [sflag:s19], $0x4000  }
0x39: {  	[sflag:s19] =	ssyncset.done $0x0  }
0x3a: {  	[sflag:s19] =	ssyncadd.s32 $0xFFFFC000  }
0x3b: {  	s30 =	sadd.s32 $0x0, s17;
	[bflag:$0x0] =	sbarrier.arrive $0xFFFF  }
0x3c: {  	[tilespmem:s20], [sflag:$0x2] =	stream.linear.gather [hbm4b:s30+s4], $0x50, $0x38;
	[tilespmem:$0x1A900] =	vst v63  }
0x3d: {  	_ =	swait.ge [sflag:s19], $0x50  }
0x3e: {  	[sflag:s19] =	ssyncset.done $0x0  }
0x3f: {  	s31 =	sadd.s32 $0x0, s16;
	[sflag:s19] =	ssyncadd.s32 $0xFFFFFFB0  }
0x40: {  	[tilespmem:s21], [sflag:$0x2] =	stream.linear.gather [hbm4b:s31+s4], $0x50, $0x38;
	[tilespmem:$0x1A900] =	vst v63  }
0x41: {  	_ =	swait.ge [sflag:s19], $0x50  }
0x42: {  	[sflag:s19] =	ssyncset.done $0x0  }
0x43: {  	[sflag:s19] =	ssyncadd.s32 $0xFFFFFFB0  }
0x44: {  	[tilespmem:s23], [sflag:$0x1] =	stream.indirect.gather [hbm4b:s0+s22], $0x80, s20, s22, $0xb8;
	[tilespmem:$0x1A900] =	vst v63  }
0x45: {  	_ =	swait.ge [sflag:s24], $0x2800  }
0x46: {  	[sflag:s24] =	ssyncset.done $0x0  }
0x47: {  	[sflag:s24] =	ssyncadd.s32 $0xFFFFD800  }
0x48: {  	[spmem:s3] =	stream.indirect.scatter.add.f32 [tilespmem:s23], [sflag:$0x2], $0x80, s21, s22, $0xb8;
	[tilespmem:$0x1A900] =	vst v63  }
0x49: {  	_ =	swait.ge [sflag:s19], $0x2800  }
0x4a: {  	s26 =	simm.s32 $0xA;
	s28 =	simm.s32 $0x14;
	[sflag:s19] =	ssyncset.done $0x0  }
.LBB2_4:
0x4b: {  	s29 =	sadd.s32 s26, s17  }
0x4c: {  	[sflag:s19] =	ssyncadd.s32 $0xFFFFD800;
	s30 =	smov.u32 s28;
	s31 =	sadd.s32 $0xA, s28  }
0x4d: {  	[tilespmem:s20], [sflag:$0x2] =	stream.linear.gather [hbm4b:s29+s4], $0x50, $0x38;
	[tilespmem:$0x1A900] =	vst v63  }
0x4e: {  	p0 =	sne.s32 s28, $0x4D8;
	_ =	swait.ge [sflag:s19], $0x50  }
0x4f: {  	[sflag:s19] =	ssyncset.done $0x0  }
0x50: {  	s28 =	sadd.s32 s26, s16;
	s26 =	smov.u32 s30;
	[sflag:s19] =	ssyncadd.s32 $0xFFFFFFB0  }
0x51: {  	[tilespmem:s21], [sflag:$0x2] =	stream.linear.gather [hbm4b:s28+s4], $0x50, $0x38;
	[tilespmem:$0x1A900] =	vst v63  }
0x52: {  	_ =	swait.ge [sflag:s19], $0x50  }
0x53: {  	[sflag:s19] =	ssyncset.done $0x0  }
0x54: {  	[sflag:s19] =	ssyncadd.s32 $0xFFFFFFB0  }
0x55: {  	[tilespmem:s23], [sflag:$0x1] =	stream.indirect.gather [hbm4b:s0+s22], $0x80, s20, s22, $0xb8;
	[tilespmem:$0x1A900] =	vst v63  }
0x56: {  	_ =	swait.ge [sflag:s24], $0x2800  }
.Ltmp1:
0x57: {  	[sflag:s24] =	ssyncset.done $0x0;
	(pc) =	sbr.rel @p0 .LBB2_4-.Ltmp1, $4  }
0x58: {  	[sflag:s24] =	ssyncadd.s32 $0xFFFFD800  }
0x59: {  	[spmem:s3] =	stream.indirect.scatter.add.f32 [tilespmem:s23], [sflag:$0x2], $0x80, s21, s22, $0xb8;
	[tilespmem:$0x1A900] =	vst v63  }
0x5a: {  	_ =	swait.ge [sflag:s19], $0x2800  }
0x5b: {  	s28 =	smov.u32 s31;
	[sflag:s19] =	ssyncset.done $0x0  }
0x5c: {  	s28 =	sadd.s32 s26, s17;
	[sflag:s19] =	ssyncadd.s32 $0xFFFFD800  }
0x5d: {  	[tilespmem:s20], [sflag:$0x2] =	stream.linear.gather [hbm4b:s28+s4], $0x50, $0x38;
	[tilespmem:$0x1A900] =	vst v63  }
0x5e: {  	_ =	swait.ge [sflag:s19], $0x50  }
0x5f: {  	[sflag:s19] =	ssyncset.done $0x0  }
0x60: {  	s28 =	sadd.s32 s26, s16;
	[sflag:s19] =	ssyncadd.s32 $0xFFFFFFB0  }
0x61: {  	[tilespmem:s21], [sflag:$0x2] =	stream.linear.gather [hbm4b:s28+s4], $0x50, $0x38;
	[tilespmem:$0x1A900] =	vst v63  }
0x62: {  	_ =	swait.ge [sflag:s19], $0x50  }
0x63: {  	[sflag:s19] =	ssyncset.done $0x0  }
0x64: {  	[sflag:s19] =	ssyncadd.s32 $0xFFFFFFB0  }
0x65: {  	[tilespmem:s23], [sflag:$0x1] =	stream.indirect.gather [hbm4b:s0+s22], $0x80, s20, s22, $0xb8;
	[tilespmem:$0x1A900] =	vst v63  }
0x66: {  	_ =	swait.ge [sflag:s24], $0x2800  }
0x67: {  	[sflag:s24] =	ssyncset.done $0x0  }
0x68: {  	[sflag:s24] =	ssyncadd.s32 $0xFFFFD800  }
0x69: {  	[spmem:s3] =	stream.indirect.scatter.add.f32 [tilespmem:s23], [sflag:$0x2], $0x80, s21, s22, $0xb8;
	[tilespmem:$0x1A900] =	vst v63  }
0x6a: {  	_ =	swait.ge [sflag:s19], $0x2800  }
0x6b: {  	[sflag:s19] =	ssyncset.done $0x0  }
0x6c: {  	s29 =	sshll.u32 s2, $0x6;
	[sflag:s19] =	ssyncadd.s32 $0xFFFFD800  }
0x6d: {  	s30 =	sshrl.u32 s5, $0x3;
	s26 =	sor.u32 $0x1C02, s29;
	[bflag:$0x0] =	sbarrier.arrive $0xFFFF  }
0x6e: {  	[hbm:s10], [sflag:s26] =	dma.local [spmem:s30], $0x800  }
0x6f: {  	_ =	swait.ge [sflag:s19], $0x800  }
0x70: {  	[sflag:s19] =	ssyncset.done $0x0  }
0x71: {  	s31 =	sshrl.u32 s6, $0x3;
	[sflag:s19] =	ssyncadd.s32 $0xFFFFF800  }
0x72: {  	[hbm:s11], [sflag:s26] =	dma.local [spmem:s31], $0x800  }
0x73: {  	_ =	swait.ge [sflag:s19], $0x800  }
0x74: {  	[sflag:s19] =	ssyncset.done $0x0  }
0x75: {  	s29 =	sshrl.u32 s7, $0x3;
	[sflag:s19] =	ssyncadd.s32 $0xFFFFF800  }
0x76: {  	[hbm:s12], [sflag:s26] =	dma.local [spmem:s29], $0x800  }
0x77: {  	_ =	swait.ge [sflag:s19], $0x800  }
0x78: {  	[sflag:s19] =	ssyncset.done $0x0  }
0x79: {  	s30 =	sshrl.u32 s8, $0x3;
	[sflag:s19] =	ssyncadd.s32 $0xFFFFF800  }
0x7a: {  	[hbm:s13], [sflag:s26] =	dma.local [spmem:s30], $0x800  }
0x7b: {  	s25 =	sadd.s32 $0x1, s25;
	_ =	swait.ge [sflag:s19], $0x800  }
0x7c: {  	p0 =	sne.s32 s25, s15;
	[sflag:s19] =	ssyncset.done $0x0  }
.Ltmp2:
0x7d: {  	s31 =	sshrl.u32 s9, $0x3;
	[sflag:s19] =	ssyncadd.s32 $0xFFFFF800;
	(pc) =	sbr.rel @p0 .LBB2_1-.Ltmp2, $4  }
0x7e: {  	[hbm:s14], [sflag:s26] =	dma.local [spmem:s31], $0x800  }
0x7f: {  	_ =	swait.ge [sflag:s19], $0x800  }
0x80: {  	[sflag:s19] =	ssyncset.done $0x0  }
0x81: {  	[sflag:s19] =	ssyncadd.s32 $0xFFFFF800  }
0x82: {  	_ =	sfence.sel $0x180000  }
0x83: {  	[bflag:$0x0] =	sbarrier.arrive $0xFFFF  }
0x84: {  	p0 =	sne.s32 s2, $0x0;
	_ =	strace $0x9000004D  }
0x85: {  	s0 =	sadd.s32 @!p0 $0x100000, s1;
	[bflag:$0x2] =	sbarrier.arrive $0xFFFF  }
0x86: {  	[sflag:s0] =	ssyncadd.tile.s32 @!p0 $0x1;
	_ =	shalt  }
.Lfunc_end2:
_tile_overlayer_lowered:
.L_overlay_start_2:
0x87: {  	(tag) =	ssettag $0x2  }
0x88: {  	s0 =	rddreg [dreg:$0x0];
	s2 =	stileid.u32  }
0x89: {  	s1 =	rddreg [dreg:$0x1];
	p0 =	sne.s32 s2, $0x0  }
0x8a: {  	s3 =	rddreg [dreg:$0x2];
	[bflag:$0x3] =	sbarrier.arrive $0xFFFF;
	s2 =	simm.s32 @!p0 $0x1C02  }
0x8b: {  	[timem:s3], [sflag:s2] =	dma.local @!p0 [hbm:s0], s1  }
0x8c: {  	s0 =	simm.s32 @!p0 $0x2  }
0x8d: {  	_ =	swait.ge @!p0 [sflag:s0], s1  }
0x8e: {  	s1 =	ssub.s32 @!p0 $0x0, s1;
	[sflag:s0] =	ssyncset.done @!p0 $0x0  }
0x8f: {  	[sflag:s0] =	ssyncadd.s32 @!p0 s1  }
0x90: {  	[bflag:$0x3] =	sbarrier.arrive $0xFFFF  }
0x91: {  	_ =	shalt  }

// kernel: kernel.8.cloned.1.call-start
scs
__scs_entry_jumppad:
0x0: {  	(pc) =	sbr.rel $0x88, $3  }
0x1: {  	(tag) =	ssettag $0x0;
	lr =	simm.s32 $0x1  }
0x2: {  	[smem:$0x3F9B] =	sst lr;
	_ =	strace $0xD0000000  }
0x3: {  	_ = 	snop  }
0x4: {  	_ = 	snop  }
0x5: {  	_ = 	snop  }
0x6: {  	_ = 	snop  }
0x7: {  	_ = 	snop  }
__scs_overlays_trampoline_lowered:
0x8: {  	[smem:$0x3FAA] =	sst s0  }
0x9: {  	[smem:$0x3FAB] =	sst s1  }
0xa: {  	[smem:$0x3FAC] =	sst s2  }
0xb: {  	[smem:$0x3FAD] =	sst s3  }
0xc: {  	[smem:$0x3FAE] =	sst s4  }
0xd: {  	[smem:$0x3FAF] =	sst s5  }
0xe: {  	[smem:$0x3FB0] =	sst s6  }
0xf: {  	[smem:$0x3FB1] =	sst s7  }
0x10: {  	[smem:$0x3FB2] =	sst s8  }
0x11: {  	[smem:$0x3FB3] =	sst s9;
	s0 =	simm.s32 @!p0 $0x0  }
0x12: {  	s1 =	sld [smem:$0x3F99];
	s0 =	simm.s32 @p0 $0x1  }
0x13: {  	[smem:$0x3FB4] =	sst s0;
	s0 =	simm.s32 @!p1 $0x0  }
0x14: {  	s2 =	sld [smem:$0x3F98];
	s0 =	simm.s32 @p1 $0x1  }
0x15: {  	[smem:$0x3FB5] =	sst s0;
	s0 =	simm.s32 @!p2 $0x0  }
0x16: {  	s3 =	sld [smem:$0x3FDB];
	s0 =	simm.s32 @p2 $0x1  }
0x17: {  	s4 =	simm.s32 $0x1BF5;
	[smem:$0x3FB7] =	sst s0  }
0x18: {  	s0 =	sld [smem:$0x3F9A];
	_ =	swait.ge [sflag:s4], $0x0  }
0x19: {  	s7 =	sld [smem:$0x3F9B]  }
0x1a: {  	s8 =	sadd.s32 $0xFFFFE003, lr  }
0x1b: {  	s9 =	sadd.s32 $0xFFFFFEF7, lr;
	s5 =	simm.s32 $0xFFFFFFFF;
	p2 =	slt.u32 s8, $0xFFFFF086  }
0x1c: {  	p1 =	slt.u32 s9, $0xF7A;
	s5 =	simm.s32 @!p2 $0x0  }
0x1d: {  	s5 =	simm.s32 @p1 $0x1;
	p0 =	seq.s32 s7, s2  }
0x1e: {  	s7 =	smul.u32 @!p0 $0xF7A, s2;
	p2 =	seq.s32 @!p0 s5, $0x0  }
0x1f: {  	s9 =	smul.u32 $0xF7A, s1;
	s8 =	simm.s32 @!p0 $0x1BF5;
	p2 =	por !p2, p0  }
0x20: {  	[sflag:s8] =	ssyncset.s32 @!p0 $0xFFFFF086;
	s6 =	sadd.s32 @!p0 s3, s7;
	s7 =	simm.s32 @!p0 $0x108  }
0x21: {  	s3 =	sadd.s32 s3, s9;
	s6 =	sadd.s32 @!p0 $0x88, s6;
	s7 =	simm.s32 @p2 $0x1082  }
0x22: {  	[simem:s7], [sflag:s8] =	dma.local @!p0 [hbm:s6], $0xF7A  }
0x23: {  	s9 =	sor.u32 $0xD0000000, s2;
	s6 =	simm.s32 $0x108;
	_ =	swait.ge @!p0 [sflag:s8], $0x0  }
0x24: {  	s3 =	sadd.s32 $0x88, s3;
	s6 =	simm.s32 @!p1 $0x1082;
	[sflag:s4] =	ssyncset.s32 $0xFFFFF086  }
0x25: {  	[simem:s6], [sflag:s4] =	dma.local [hbm:s3], $0xF7A  }
0x26: {  	[smem:$0x3F9B] =	sst s1;
	(tag) =	ssettag s2;
	_ =	strace s9  }
0x27: {  	s1 =	sld [smem:$0x3FAB]  }
0x28: {  	s2 =	sld [smem:$0x3FAC]  }
0x29: {  	s4 =	sld [smem:$0x3FAE]  }
0x2a: {  	p0 =	seq.s32 s5, $0x0;
	s5 =	sld [smem:$0x3FAF]  }
0x2b: {  	s6 =	sld [smem:$0x3FB0]  }
0x2c: {  	s7 =	sld [smem:$0x3FB1]  }
0x2d: {  	s3 =	simm.s32 $0x108;
	s8 =	sld [smem:$0x3FB2]  }
0x2e: {  	s3 =	simm.s32 @!p0 $0x1082;
	s9 =	sld [smem:$0x3FB3]  }
0x2f: {  	lr =	sadd.s32 s0, s3;
	s0 =	sld [smem:$0x3FAA]  }
0x30: {  	s3 =	sld [smem:$0x3FAD]  }
0x31: {  	[smem:$0x3FB6] =	sst s10  }
0x32: {  	s10 =	sld [smem:$0x3FB4];
	_ =	sdelay $0x3  }
0x33: {  	p0 =	seq.s32 s10, $0x1;
	s10 =	sld [smem:$0x3FB6];
	_ =	sdelay $0x3  }
0x34: {  	[smem:$0x3FB6] =	sst s10  }
0x35: {  	s10 =	sld [smem:$0x3FB5];
	_ =	sdelay $0x3  }
0x36: {  	p1 =	seq.s32 s10, $0x1;
	s10 =	sld [smem:$0x3FB6];
	_ =	sdelay $0x3  }
0x37: {  	[smem:$0x3FB6] =	sst s10  }
0x38: {  	s10 =	sld [smem:$0x3FB7]  }
0x39: {  	_ = 	snop;
	(pc) =	sbr.ind lr, $3  }
0x3a: {  	_ = 	snop  }
0x3b: {  	_ = 	snop  }
0x3c: {  	p2 =	seq.s32 s10, $0x1;
	s10 =	sld [smem:$0x3FB6]  }
0x3d: {  	_ =	shalt  }
0x3e: {  	_ =	shalt  }
0x3f: {  	_ =	shalt  }
0x40: {  	_ =	shalt  }
0x41: {  	_ =	shalt  }
0x42: {  	_ =	shalt  }
0x43: {  	_ =	shalt  }
0x44: {  	_ =	shalt  }
0x45: {  	_ =	shalt  }
0x46: {  	_ =	shalt  }
0x47: {  	_ =	shalt  }
0x48: {  	_ =	shalt  }
0x49: {  	_ =	shalt  }
0x4a: {  	_ =	shalt  }
0x4b: {  	_ =	shalt  }
0x4c: {  	_ =	shalt  }
0x4d: {  	_ =	shalt  }
0x4e: {  	_ =	shalt  }
0x4f: {  	_ =	shalt  }
0x50: {  	_ =	shalt  }
0x51: {  	_ =	shalt  }
0x52: {  	_ =	shalt  }
0x53: {  	_ =	shalt  }
0x54: {  	_ =	shalt  }
0x55: {  	_ =	shalt  }
0x56: {  	_ =	shalt  }
0x57: {  	_ =	shalt  }
0x58: {  	_ =	shalt  }
0x59: {  	_ =	shalt  }
0x5a: {  	_ =	shalt  }
0x5b: {  	_ =	shalt  }
0x5c: {  	_ =	shalt  }
0x5d: {  	_ =	shalt  }
0x5e: {  	_ =	shalt  }
0x5f: {  	_ =	shalt  }
0x60: {  	_ =	shalt  }
0x61: {  	_ =	shalt  }
0x62: {  	_ =	shalt  }
0x63: {  	_ =	shalt  }
0x64: {  	_ =	shalt  }
0x65: {  	_ =	shalt  }
0x66: {  	_ =	shalt  }
0x67: {  	_ =	shalt  }
0x68: {  	_ =	shalt  }
0x69: {  	_ =	shalt  }
0x6a: {  	_ =	shalt  }
0x6b: {  	_ =	shalt  }
0x6c: {  	_ =	shalt  }
0x6d: {  	_ =	shalt  }
0x6e: {  	_ =	shalt  }
0x6f: {  	_ =	shalt  }
0x70: {  	_ =	shalt  }
0x71: {  	_ =	shalt  }
0x72: {  	_ =	shalt  }
0x73: {  	_ =	shalt  }
0x74: {  	_ =	shalt  }
0x75: {  	_ =	shalt  }
0x76: {  	_ =	shalt  }
0x77: {  	_ =	shalt  }
0x78: {  	_ =	shalt  }
0x79: {  	_ =	shalt  }
0x7a: {  	_ =	shalt  }
0x7b: {  	_ =	shalt  }
0x7c: {  	_ =	shalt  }
0x7d: {  	_ =	shalt  }
0x7e: {  	_ =	shalt  }
0x7f: {  	_ =	shalt  }
0x80: {  	_ =	shalt  }
0x81: {  	_ =	shalt  }
0x82: {  	_ =	shalt  }
0x83: {  	_ =	shalt  }
0x84: {  	_ =	shalt  }
0x85: {  	_ =	shalt  }
0x86: {  	_ =	shalt  }
0x87: {  	_ =	shalt  }
.Lfunc_end0:
.L_simem_size_0:
called_computation_lowered:
.L_overlay_start_0:
0x88: {  	s2 =	sld [smem:$0x3FD9]  }
0x89: {  	s3 =	sld [smem:$0x3FFE];
	_ =	sdelay $0x1  }
0x8a: {  	s1 =	srdreg.scid  }
0x8b: {  	s0 =	sand.u32 $0x1, s1  }
0x8c: {  	s17 =	sshll.u32 s0, $0xA;
	s2 =	sadd.s32 s3, s2  }
0x8d: {  	s2 =	sadd.s32 s2, s17  }
0x8e: {  	[smem:$0x3FC2] =	sst s2  }
0x8f: {  	_ = 	snop  }
0x90: {  	s2 =	sld [smem:$0x3FD0];
	(tm) =	ssettm $0x1  }
0x91: {  	s18 =	sld [smem:$0x3FFB];
	_ =	sdelay $0x3  }
0x92: {  	_ =	strace s18  }
0x93: {  	s3 =	sld [smem:$0x3FFC];
	_ =	sdelay $0x3  }
0x94: {  	_ =	strace s3  }
0x95: {  	s3 =	sld [smem:$0x3FFD];
	_ =	sdelay $0x3  }
0x96: {  	_ =	strace s3  }
0x97: {  	_ =	strace $0x8FFFFFFF  }
0x98: {  	s19 =	sld [smem:$0x3FDB];
	_ =	sdelay $0x1  }
0x99: {  	s4 =	simm.s32 $_scs_section_size  }
0x9a: {  	s5 =	simm.s32 $_size__tile_overlayer_lowered;
	s6 =	simm.s32 $_tile_overlayer_lowered  }
0x9b: {  	s22 =	simm.s32 $0x1BFF;
	s21 =	sshll.u32 s6, $0x1;
	s3 =	sadd.s32 s4, s19  }
0x9c: {  	s7 =	simm.s32 $0x0;
	s20 =	sshll.u32 s5, $0x1;
	s5 =	sadd.s32 s21, s3  }
0x9d: {  	[timem:s7], [sflag:s22] =	dma.local [hbm:s5], s20  }
0x9e: {  	_ =	swait.ge [sflag:s22], s20  }
0x9f: {  	s4 =	ssub.s32 $0x0, s20;
	[sflag:s22] =	ssyncset.done $0x0  }
0xa0: {  	[sflag:s22] =	ssyncadd.s32 s4;
	_ =	sdelay $0x1  }
0xa1: {  	s23 =	simm.s32 $0x1B8B  }
0xa2: {  	_ =	swait.ge [sflag:s23], $0x1  }
0xa3: {  	[sflag:s23] =	ssyncset.done $0x0  }
0xa4: {  	s25 =	simm.s32 $0x1B8E;
	s24 =	sld [smem:$0x3FFE];
	[sflag:s23] =	ssyncadd.s32 $0xFFFFFFFF  }
0xa5: {  	s26 =	simm.s32 $execute0_lowered;
	[smem:$0x3FD2] =	sst s25  }
0xa6: {  	s5 =	sshll.u32 s26, $0x1;
	_ =	strace $0x80000046;
	[dreg:$0x1] =	wrdreg $0xFFFFFFFF  }
0xa7: {  	s28 =	simm.s32 $_size_execute0_lowered;
	s3 =	sadd.s32 s3, s5;
	[dreg:$0x0] =	wrdreg $0x0  }
0xa8: {  	s5 =	sshll.u32 s28, $0x1;
	[dreg:$0x2] =	wrdreg s3  }
0xa9: {  	[dreg:$0x3] =	wrdreg s5  }
0xaa: {  	[dreg:$0x4] =	wrdreg $0xC0  }
0xab: {  	_ =	task [dreg:s7], $0x5FFFF  }
0xac: {  	[dreg:$0x1] =	wrdreg $0xFFFFFFFF  }
0xad: {  	[dreg:$0x0] =	wrdreg $0x60  }
0xae: {  	[dreg:$0x2] =	wrdreg s24  }
0xaf: {  	[dreg:$0x3] =	wrdreg s2  }
0xb0: {  	[dreg:$0x4] =	wrdreg $0x0  }
0xb1: {  	[dreg:$0x5] =	wrdreg $0x9  }
0xb2: {  	_ =	task.clear_ibuf [dreg:s7], $0x6FFFF;
	_ =	strace $0x90000046  }
0xb3: {  	s29 =	simm.s32 $0x9;
	_ =	strace $0x80000048  }
0xb4: {  	_ =	swait.ge [sflag:s29], $0x1  }
0xb5: {  	[sflag:s29] =	ssyncadd.s32 $0xFFFFFFFF  }
0xb6: {  	_ =	strace $0x90000048  }
0xb7: {  	_ =	sfence  }
0xb8: {  	s30 =	sld [smem:$0x0];
	_ =	sdelay $0x2  }
0xb9: {  	s31 =	sshll.u32 s1, $0xD;
	s1 =	sshrl.u32 s1, $0x2  }
0xba: {  	s3 =	sand.u32 $0x4000, s31;
	s1 =	sadd.s32 s1, s30  }
0xbb: {  	s0 =	sor.u32 s3, s0;
	s1 =	sshll.u32 s1, $0x11  }
0xbc: {  	s0 =	sor.u32 s1, s0  }
0xbd: {  	s0 =	sadd.s32 $0x8F2B, s0  }
0xbe: {  	[sflag:s0] =	ssyncadd.remote.s32 $0x1  }
0xbf: {  	_ =	sfence.sel $0xFFFF  }
0xc0: {  	[dreg:$0x0] =	wrdreg $0xFFFFFFFF;
	(pc) =	sbr.abs _section_cstart, $3  }
0xc1: {  	[dreg:$0x1] =	wrdreg $0xFFFFFFFF  }
0xc2: {  	_ =	task.clear_ibuf [dreg:s7], $0x2FFFF;
	_ =	strace $0x9FFFFFFF  }
0xc3: {  	(tm) =	ssettm $0x7FFFFFFF  }
tec
execute0_lowered:
.L_overlay_start_1:
0x0: {  	(tag) =	ssettag $0x1  }
0x1: {  	s4 =	rddreg [dreg:$0x0]  }
0x2: {  	s5 =	rddreg [dreg:$0x1]  }
0x3: {  	s2 =	rddreg [dreg:$0x2]  }
0x4: {  	s0 =	srdreg.scid;
	s1 =	rddreg [dreg:$0x3];
	s3 =	simm.s32 $0x0  }
0x5: {  	s11 =	simm.s32 $0x50;
	s12 =	simm.s32 $0x300;
	s6 =	sand.u32 $0x1, s0  }
0x6: {  	s15 =	simm.s32 $0x20;
	s0 =	stileid.u32;
	s7 =	smul.u32 $0x27100, s6  }
0x7: {  	s16 =	simm.s32 $0x10;
	[smem:$0x7FF] =	sst s3;
	s8 =	smul.u32 $0x2710, s0  }
0x8: {  	s17 =	simm.s32 $0x0;
	_ =	strace $0x80000047;
	s28 =	smul.u32 $0x500, s0  }
0x9: {  	s9 =	ssub.s32 $0x2, s6;
	s10 =	smul.u32 $0xA00, s0;
	s13 =	sshll.u32 s0, $0x6  }
0xa: {  	s6 =	sshll.u32 s6, $0x7;
	s29 =	sshrl.u32 s9, $0x1;
	s13 =	sor.u32 $0x1C01, s13  }
0xb: {  	s7 =	sadd.s32 s8, s7;
	s6 =	sor.u32 s6, s28;
	s30 =	ssub.s32 s9, s29  }
0xc: {  	s31 =	sshrl.u32 s10, $0x2;
	s8 =	simm.s32 $0x380;
	s9 =	simm.s32 $0x1  }
0xd: {  	s10 =	simm.s32 $0x280;
	s7 =	sshrl.u32 s7, $0x3;
	s6 =	sshrl.u32 s6, $0x3  }
0xe: {  	s7 =	sadd.s32 s7, s4;
	s4 =	sadd.s32 s31, s2;
	s5 =	sadd.s32 s5, s6  }
0xf: {  	v0 =	vimm.f32 $1.000000000e+00;
	v1 =	vimm.f32 $0.0e+00;
	s6 =	smax.u32 s30, $0x1;
	s7 =	sadd.s32 $0xD200, s7;
	s14 =	sshrl.u32 s4, $0x3  }
.LBB2_1:
0x10: {  	[tilespmem:$0x300] =	vst v0  }
0x11: {  	[tilespmem:$0x310] =	vst v0  }
0x12: {  	[tilespmem:$0x320] =	vst v0  }
0x13: {  	[tilespmem:$0x330] =	vst v0  }
0x14: {  	[tilespmem:$0x340] =	vst v0  }
0x15: {  	[tilespmem:$0x380] =	vst v1  }
0x16: {  	[tilespmem:$0x390] =	vst v1  }
0x17: {  	[tilespmem:$0x3A0] =	vst v1  }
0x18: {  	[tilespmem:$0x3B0] =	vst v1  }
0x19: {  	[tilespmem:$0x3C0] =	vst v1  }
0x1a: {  	[tilespmem:$0x3D0] =	vst v1  }
0x1b: {  	[tilespmem:$0x3E0] =	vst v1  }
0x1c: {  	[tilespmem:$0x3F0] =	vst v1  }
0x1d: {  	[tilespmem:$0x400] =	vst v1  }
0x1e: {  	[tilespmem:$0x410] =	vst v1  }
0x1f: {  	[tilespmem:$0x420] =	vst v1  }
0x20: {  	[tilespmem:$0x430] =	vst v1  }
0x21: {  	[tilespmem:$0x440] =	vst v1  }
0x22: {  	[tilespmem:$0x450] =	vst v1  }
0x23: {  	[tilespmem:$0x460] =	vst v1  }
0x24: {  	[tilespmem:$0x470] =	vst v1  }
0x25: {  	[tilespmem:$0x480] =	vst v1  }
0x26: {  	[tilespmem:$0x490] =	vst v1  }
0x27: {  	[tilespmem:$0x4A0] =	vst v1  }
0x28: {  	[tilespmem:$0x4B0] =	vst v1  }
0x29: {  	[tilespmem:$0x4C0] =	vst v1  }
0x2a: {  	[tilespmem:$0x4D0] =	vst v1  }
0x2b: {  	[tilespmem:$0x4E0] =	vst v1  }
0x2c: {  	[tilespmem:$0x4F0] =	vst v1  }
0x2d: {  	[tilespmem:$0x500] =	vst v1  }
0x2e: {  	[tilespmem:$0x510] =	vst v1  }
0x2f: {  	[tilespmem:$0x520] =	vst v1  }
0x30: {  	[tilespmem:$0x530] =	vst v1  }
0x31: {  	[tilespmem:$0x540] =	vst v1  }
0x32: {  	[tilespmem:$0x550] =	vst v1  }
0x33: {  	[tilespmem:$0x560] =	vst v1  }
0x34: {  	[tilespmem:$0x570] =	vst v1  }
0x35: {  	[tilespmem:$0x580] =	vst v1  }
0x36: {  	[tilespmem:$0x590] =	vst v1  }
0x37: {  	[tilespmem:$0x5A0] =	vst v1  }
0x38: {  	[tilespmem:$0x5B0] =	vst v1  }
0x39: {  	[tilespmem:$0x5C0] =	vst v1  }
0x3a: {  	[tilespmem:$0x5D0] =	vst v1  }
0x3b: {  	[tilespmem:$0x5E0] =	vst v1  }
0x3c: {  	[tilespmem:$0x5F0] =	vst v1  }
0x3d: {  	[spmem:s4] =	stream.linear.scatter [tilespmem:s8], [sflag:$0x1], $0x280, $0x38;
	[tilespmem:$0x600] =	vst v63  }
0x3e: {  	_ =	swait.ge [sflag:s9], $0x280  }
0x3f: {  	[sflag:s9] =	ssyncset.done $0x0  }
0x40: {  	[sflag:s9] =	ssyncadd.s32 $0xFFFFFD80  }
0x41: {  	s18 =	sadd.s32 $0x0, s7;
	[bflag:$0x0] =	sbarrier.arrive $0xFFFF  }
0x42: {  	[tilespmem:s10], [sflag:$0x1] =	stream.linear.gather [hbm4b:s18+s3], $0x50, $0x38;
	[tilespmem:$0x600] =	vst v63  }
0x43: {  	_ =	swait.ge [sflag:s9], $0x50  }
0x44: {  	[sflag:s9] =	ssyncset.done $0x0  }
0x45: {  	[sflag:s9] =	ssyncadd.s32 $0xFFFFFFB0  }
0x46: {  	[spmem:s2] =	stream.indirect.scatter.add.f32 [tilespmem:s12], [sflag:$0x1], $0x1, s10, s11, $0xb8;
	[tilespmem:$0x600] =	vst v63  }
0x47: {  	_ =	swait.ge [sflag:s9], $0x50  }
0x48: {  	s19 =	simm.s32 $0x14;
	s18 =	simm.s32 $0xA;
	[sflag:s9] =	ssyncset.done $0x0  }
.LBB2_2:
0x49: {  	s20 =	sadd.s32 s18, s7  }
0x4a: {  	[sflag:s9] =	ssyncadd.s32 $0xFFFFFFB0;
	s18 =	smov.u32 s19;
	s21 =	sadd.s32 $0xA, s19  }
0x4b: {  	[tilespmem:s10], [sflag:$0x1] =	stream.linear.gather [hbm4b:s20+s3], $0x50, $0x38;
	[tilespmem:$0x600] =	vst v63  }
0x4c: {  	p0 =	sne.s32 s19, $0x4D8;
	_ =	swait.ge [sflag:s9], $0x50  }
.Ltmp0:
0x4d: {  	[sflag:s9] =	ssyncset.done $0x0;
	(pc) =	sbr.rel @p0 .LBB2_2-.Ltmp0, $4  }
0x4e: {  	[sflag:s9] =	ssyncadd.s32 $0xFFFFFFB0  }
0x4f: {  	[spmem:s2] =	stream.indirect.scatter.add.f32 [tilespmem:s12], [sflag:$0x1], $0x1, s10, s11, $0xb8;
	[tilespmem:$0x600] =	vst v63  }
0x50: {  	_ =	swait.ge [sflag:s9], $0x50  }
0x51: {  	s19 =	smov.u32 s21;
	[sflag:s9] =	ssyncset.done $0x0  }
0x52: {  	s18 =	sadd.s32 s18, s7;
	[sflag:s9] =	ssyncadd.s32 $0xFFFFFFB0  }
0x53: {  	[tilespmem:s10], [sflag:$0x1] =	stream.linear.gather [hbm4b:s18+s3], $0x50, $0x38;
	[tilespmem:$0x600] =	vst v63  }
0x54: {  	_ =	swait.ge [sflag:s9], $0x50  }
0x55: {  	[sflag:s9] =	ssyncset.done $0x0  }
0x56: {  	[sflag:s9] =	ssyncadd.s32 $0xFFFFFFB0  }
0x57: {  	[spmem:s2] =	stream.indirect.scatter.add.f32 [tilespmem:s12], [sflag:$0x1], $0x1, s10, s11, $0xb8;
	[tilespmem:$0x600] =	vst v63  }
0x58: {  	_ =	swait.ge [sflag:s9], $0x50  }
0x59: {  	s17 =	sadd.s32 $0x1, s17;
	[sflag:s9] =	ssyncset.done $0x0  }
0x5a: {  	p0 =	sne.s32 s17, s6;
	[sflag:s9] =	ssyncadd.s32 $0xFFFFFFB0  }
.Ltmp1:
0x5b: {  	[bflag:$0x0] =	sbarrier.arrive $0xFFFF;
	(pc) =	sbr.rel @p0 .LBB2_1-.Ltmp1, $4  }
0x5c: {  	[hbm:s5@s15], [sflag:s13] =	dma.strided [spmem:s14@s16], $0x50, s9, $0x10   }
0x5d: {  	_ =	swait.ge [sflag:s9], $0x50  }
0x5e: {  	[sflag:s9] =	ssyncset.done $0x0  }
0x5f: {  	[sflag:s9] =	ssyncadd.s32 $0xFFFFFFB0  }
0x60: {  	_ =	sfence.sel $0x180000  }
0x61: {  	[bflag:$0x0] =	sbarrier.arrive $0xFFFF  }
0x62: {  	p0 =	sne.s32 s0, $0x0;
	_ =	strace $0x90000047  }
0x63: {  	s0 =	sadd.s32 @!p0 $0x100000, s1;
	[bflag:$0x2] =	sbarrier.arrive $0xFFFF  }
0x64: {  	[sflag:s0] =	ssyncadd.tile.s32 @!p0 $0x1;
	_ =	shalt  }
.Lfunc_end2:
_tile_overlayer_lowered:
.L_overlay_start_2:
0x65: {  	(tag) =	ssettag $0x2  }
0x66: {  	s0 =	rddreg [dreg:$0x0];
	s2 =	stileid.u32  }
0x67: {  	s1 =	rddreg [dreg:$0x1];
	p0 =	sne.s32 s2, $0x0  }
0x68: {  	s3 =	rddreg [dreg:$0x2];
	[bflag:$0x3] =	sbarrier.arrive $0xFFFF;
	s2 =	simm.s32 @!p0 $0x1C01  }
0x69: {  	[timem:s3], [sflag:s2] =	dma.local @!p0 [hbm:s0], s1  }
0x6a: {  	s0 =	simm.s32 @!p0 $0x1  }
0x6b: {  	_ =	swait.ge @!p0 [sflag:s0], s1  }
0x6c: {  	s1 =	ssub.s32 @!p0 $0x0, s1;
	[sflag:s0] =	ssyncset.done @!p0 $0x0  }
0x6d: {  	[sflag:s0] =	ssyncadd.s32 @!p0 s1  }
0x6e: {  	[bflag:$0x3] =	sbarrier.arrive $0xFFFF  }
0x6f: {  	_ =	shalt  }

</sc_bundles>
